<compile_context>
chip_gen: v7x
topology: tpu7x:2x2x1
jax: 0.10.2.dev20260603
libtpu: 0.0.44.dev20260713+nightly
codegen_flags: <defaults>
</compile_context>

<pallas_src>
import functools

import jax
import jax.numpy as jnp
from jax import lax
from jax.experimental import pallas as pl
from jax.experimental.pallas import tpu as pltpu
from jax.experimental.pallas import tpu_sc as plsc

BUCKETS = 1000000
HASH_C = 1315423911
C_HI = HASH_C >> 15
C_LO = HASH_C & 0x7FFF

BATCH = 4096
SEQ = 200
DIM = 64
MODEL_DIM = 128
TOKENS = BATCH * SEQ

NC, NS = 2, 16
NW = NC * NS
CHUNK = 128
G = TOKENS // (NW * CHUNK)


def _hash_compute(x):
    prev = pltpu.roll(x, jnp.int32(1), 1)
    i32 = lambda v: jnp.int32(v)
    a = prev * i32(C_HI)
    b = prev * i32(C_LO)
    a_hi = lax.shift_right_logical(a, i32(2))
    s = (a & i32(3)) * i32(32768) + b
    hi = a_hi + lax.shift_right_arithmetic(s, i32(17))
    lo = (s & i32(0x1FFFF)) ^ x
    h = lax.rem(hi, i32(BUCKETS))
    h1 = lax.shift_right_arithmetic(h, i32(10))
    h0 = h & i32(1023)
    t = h1 * i32(217728) + h0 * i32(131072) + lo
    pair = lax.rem(t, i32(BUCKETS))
    col = lax.broadcasted_iota(jnp.int32, x.shape, 1)
    return jnp.where(col == 0, x, pair)


BK = 24576


def _proj_body(ids_ref, et_ref, w_ref, s_ref, pair_ref, o_ref):
    @pl.when(pl.program_id(0) == 0)
    def _():
        pair_ref[...] = _hash_compute(ids_ref[...])

    acc = lax.dot_general(
        et_ref[...], w_ref[...],
        (((0,), (1,)), ((), ())),
        preferred_element_type=jnp.float32,
    )
    o_ref[...] = s_ref[0] * acc


def _hash_and_project(ids32, embed_t, w, scale1):
    return pl.pallas_call(
        _proj_body,
        grid=((BUCKETS + BK - 1) // BK,),
        in_specs=[
            pl.BlockSpec((BATCH, SEQ), lambda i: (jnp.int32(0), jnp.int32(0))),
            pl.BlockSpec((DIM, BK), lambda i: (jnp.int32(0), i)),
            pl.BlockSpec((MODEL_DIM, DIM), lambda i: (jnp.int32(0), jnp.int32(0))),
            pl.BlockSpec((1,), lambda i: (jnp.int32(0),), memory_space=pltpu.SMEM),
        ],
        out_specs=[
            pl.BlockSpec((BATCH, SEQ), lambda i: (jnp.int32(0), jnp.int32(0))),
            pl.BlockSpec((BK, MODEL_DIM), lambda i: (i, jnp.int32(0))),
        ],
        out_shape=[
            jax.ShapeDtypeStruct((BATCH, SEQ), jnp.int32),
            jax.ShapeDtypeStruct((BUCKETS, MODEL_DIM), jnp.float32),
        ],
        compiler_params=pltpu.CompilerParams(vmem_limit_bytes=100 * 1024 * 1024),
    )(ids32, embed_t, w, scale1)


_SC_MESH = plsc.VectorSubcoreMesh(core_axis_name="c", subcore_axis_name="s")


@functools.partial(
    pl.kernel,
    mesh=_SC_MESH,
    out_type=jax.ShapeDtypeStruct((TOKENS, MODEL_DIM), jnp.float32),
    scratch_types=[
        pltpu.VMEM((G, CHUNK), jnp.int32),
        pltpu.VMEM((3, 2 * CHUNK, MODEL_DIM), jnp.float32),
    ] + [pltpu.SemaphoreType.DMA] * 6,
    compiler_params=pltpu.CompilerParams(use_tc_tiling_on_sc=False),
)
def _sc_gather(idx_hbm, table_hbm, out_hbm, idx_v, rows_v,
               g0, g1, g2, w0, w1, w2):
    wid = lax.axis_index("s") * NC + lax.axis_index("c")
    pltpu.sync_copy(idx_hbm.at[wid], idx_v)

    NB, L = 3, 2
    GG = G // 2
    base = lax.mul(wid, jnp.int32(G * CHUNK))
    gsems = (g0, g1, g2)
    wsems = (w0, w1, w2)

    def gather_start(g, b):
        g2x = lax.mul(g, jnp.int32(2))
        buf = rows_v.at[jnp.int32(b)]
        pltpu.async_copy(table_hbm.at[idx_v.at[g2x]], buf.at[pl.ds(0, CHUNK)], gsems[b])
        pltpu.async_copy(
            table_hbm.at[idx_v.at[lax.add(g2x, jnp.int32(1))]],
            buf.at[pl.ds(CHUNK, CHUNK)], gsems[b],
        )

    def gather_wait(b):
        buf = rows_v.at[jnp.int32(b)]
        for h in range(2):
            pltpu.make_async_copy(
                table_hbm.at[idx_v.at[jnp.int32(0)]],
                buf.at[pl.ds(h * CHUNK, CHUNK)], gsems[b],
            ).wait()

    def wb_start(g, b):
        off = lax.add(base, lax.mul(g, jnp.int32(2 * CHUNK)))
        pltpu.async_copy(rows_v.at[jnp.int32(b)], out_hbm.at[pl.ds(off, 2 * CHUNK)], wsems[b])

    def wb_wait(b):
        pltpu.make_async_copy(
            rows_v.at[jnp.int32(b)], out_hbm.at[pl.ds(base, 2 * CHUNK)], wsems[b]
        ).wait()

    for b in range(L):
        gather_start(jnp.int32(b), b)

    def body(g, carry):
        for b in range(NB):

            @pl.when(lax.rem(g, jnp.int32(NB)) == b)
            def _():
                b2 = (b + L) % NB

                @pl.when(g + L < GG)
                def _():
                    @pl.when(g >= NB - L)
                    def _():
                        wb_wait(b2)

                    gather_start(lax.add(g, jnp.int32(L)), b2)

                gather_wait(b)
                wb_start(g, b)

        return carry

    lax.fori_loop(jnp.int32(0), jnp.int32(GG), body, jnp.int32(0))
    for b in range(NB):
        wb_wait(b)


def kernel(input_ids, embed, W_proj, scale):
    ids32 = input_ids.astype(jnp.int32)
    embed_t = embed.T
    pair, table = _hash_and_project(
        ids32, embed_t, W_proj, scale.astype(jnp.float32).reshape(1)
    )
    idx = pair.reshape(NW, G, CHUNK)
    out = _sc_gather(idx, table)
    return out.reshape(BATCH, SEQ, MODEL_DIM)

# --- scband reference (transcript-rebuilt; emitter-appended) ---
"""Pipeline reference for scband-bigram-hash-embedding-55301998903663 (READ-ONLY COPY).

The authoritative reference and input builder live on the scoring server;
editing this copy changes nothing except your own understanding.
"""

import jax, jax.numpy as jnp
import numpy as np

jax.config.update("jax_enable_x64", True)

BUCKETS = 1000000
DIM = 64
MODEL_DIM = 128
BATCH = 4096
SEQ = 200
VOCAB = 100000


def setup_inputs(seed: int = 0) -> dict:
    key = jax.random.key(seed)
    k1, k2, k3 = jax.random.split(key, 3)
    input_ids = jax.random.randint(k1, (BATCH, SEQ), 0, VOCAB, dtype=jnp.int64)
    embed = jax.random.normal(k2, (BUCKETS, DIM), dtype=jnp.float32) * 0.02
    W_proj = jax.random.normal(k3, (MODEL_DIM, DIM), dtype=jnp.float32) * 0.02
    scale = jnp.array(1.0, dtype=jnp.float32)
    return {"input_ids": input_ids, "embed": embed, "W_proj": W_proj, "scale": scale}


def reference(input_ids, embed, W_proj, scale):
    # prev token (rolled right by 1, first position zeroed)
    prev = jnp.roll(input_ids, 1, axis=1)
    prev = prev.at[:, 0].set(0)
    # bigram hash: (prev * 1315423911) XOR cur, mod buckets
    pair = ((prev.astype(jnp.int64) * jnp.int64(1315423911)) ^ input_ids.astype(jnp.int64)) % BUCKETS
    # embedding gather
    out = jnp.take(embed, pair, axis=0)
    # projection dim -> model_dim (nn.Linear with no bias: x @ W.T)
    out = out @ W_proj.T
    return scale.astype(out.dtype) * out

if __name__ == "__main__":
    import jax
    _d = setup_inputs()
    print(jax.jit(kernel)(*tuple(_d.values())))

</pallas_src>

<mosaic_0001>
#map = affine_map<(d0, d1) -> (0, 0, 0)>
#map1 = affine_map<(d0, d1) -> (0, 0)>
module attributes {stable_mosaic.version = 14 : i64} {
  func.func @_sc_gather(%arg0: i32, %arg1: i32, %arg2: memref<32x200x128xi32, #tpu.memory_space<hbm>>, %arg3: memref<1000000x128xf32, #tpu.memory_space<hbm>>, %arg4: memref<819200x128xf32, #tpu.memory_space<hbm>>, %arg5: memref<200x128xi32, #tpu.memory_space<vmem>>, %arg6: memref<3x256x128xf32, #tpu.memory_space<vmem>>, %arg7: memref<!tpu.dma_semaphore, #tpu.memory_space<semaphore_mem>>, %arg8: memref<!tpu.dma_semaphore, #tpu.memory_space<semaphore_mem>>, %arg9: memref<!tpu.dma_semaphore, #tpu.memory_space<semaphore_mem>>, %arg10: memref<!tpu.dma_semaphore, #tpu.memory_space<semaphore_mem>>, %arg11: memref<!tpu.dma_semaphore, #tpu.memory_space<semaphore_mem>>, %arg12: memref<!tpu.dma_semaphore, #tpu.memory_space<semaphore_mem>>) attributes {dimension_semantics = [#tpu.dimension_semantics<core_parallel>, #tpu.dimension_semantics<subcore_parallel>], iteration_bounds = array<i64: 2, 16>, scalar_prefetch = 0 : i64, scratch_operands = 8 : i64, tpu.core_type = #tpu.core_type<sc_vector_subcore>, window_params = [{transform_indices = #map}, {transform_indices = #map1}, {transform_indices = #map1}]} {
    %mul3A = arith.constant 2 : i32
    %mul3A_0 = arith.muli %arg1, %mul3A : i32
    %add3A = arith.addi %mul3A_0, %arg0 : i32
    "tpu.region"() ({
      %run_scoped3A = tpu.sem_alloc : memref<!tpu.dma_semaphore, #tpu.memory_space<semaphore_mem>>
      %dma_start3A_116 = arith.constant 0 : i32
      %dma_start3A_117 = arith.constant 0 : i32
      %dma_start3A_118 = tpu.memref_slice %arg2[%add3A, %dma_start3A_116, %dma_start3A_117] : memref<32x200x128xi32, #tpu.memory_space<hbm>> -> memref<1x200x128xi32, #tpu.memory_space<hbm>>
      %dma_start3A_119 = tpu.memref_squeeze %dma_start3A_118 : memref<1x200x128xi32, #tpu.memory_space<hbm>> -> memref<200x128xi32, #tpu.memory_space<hbm>>
      %dma_start3A_120 = arith.constant 0 : i32
      %dma_start3A_121 = arith.constant 0 : i32
      %dma_start3A_122 = tpu.memref_slice %arg2[%add3A, %dma_start3A_120, %dma_start3A_121] : memref<32x200x128xi32, #tpu.memory_space<hbm>> -> memref<1x200x128xi32, #tpu.memory_space<hbm>>
      %dma_start3A_123 = tpu.memref_squeeze %dma_start3A_122 : memref<1x200x128xi32, #tpu.memory_space<hbm>> -> memref<200x128xi32, #tpu.memory_space<hbm>>
      tpu.enqueue_dma source(%dma_start3A_123 : memref<200x128xi32, #tpu.memory_space<hbm>>) target(%arg5 : memref<200x128xi32, #tpu.memory_space<vmem>>) target_semaphore(%run_scoped3A : memref<!tpu.dma_semaphore, #tpu.memory_space<semaphore_mem>>)
      %dma_wait3A_124 = arith.constant 0 : i32
      %dma_wait3A_125 = arith.constant 0 : i32
      %dma_wait3A_126 = tpu.memref_slice %arg2[%add3A, %dma_wait3A_124, %dma_wait3A_125] : memref<32x200x128xi32, #tpu.memory_space<hbm>> -> memref<1x200x128xi32, #tpu.memory_space<hbm>>
      %dma_wait3A_127 = tpu.memref_squeeze %dma_wait3A_126 : memref<1x200x128xi32, #tpu.memory_space<hbm>> -> memref<200x128xi32, #tpu.memory_space<hbm>>
      %dma_wait3A_128 = arith.constant 0 : i32
      %dma_wait3A_129 = arith.constant 0 : i32
      %dma_wait3A_130 = tpu.memref_slice %arg2[%add3A, %dma_wait3A_128, %dma_wait3A_129] : memref<32x200x128xi32, #tpu.memory_space<hbm>> -> memref<1x200x128xi32, #tpu.memory_space<hbm>>
      %dma_wait3A_131 = tpu.memref_squeeze %dma_wait3A_130 : memref<1x200x128xi32, #tpu.memory_space<hbm>> -> memref<200x128xi32, #tpu.memory_space<hbm>>
      tpu.wait_dma2 semaphore(%run_scoped3A : memref<!tpu.dma_semaphore, #tpu.memory_space<semaphore_mem>>) src(%dma_wait3A_131 : memref<200x128xi32, #tpu.memory_space<hbm>>) dst(%arg5 : memref<200x128xi32, #tpu.memory_space<vmem>>)
      tpu.yield
    }) : () -> ()
    %mul3A_1 = arith.constant 25600 : i32
    %mul3A_2 = arith.muli %add3A, %mul3A_1 : i32
    %mul3A_3 = arith.constant 0 : i32
    %mul3A_4 = arith.constant 2 : i32
    %mul3A_5 = arith.muli %mul3A_3, %mul3A_4 : i32
    %dma_start3A = arith.constant 0 : i32
    %dma_start3A_6 = arith.constant 0 : i32
    %dma_start3A_7 = arith.constant 0 : i32
    %dma_start3A_8 = tpu.memref_slice %arg6[%dma_start3A, %dma_start3A_6, %dma_start3A_7] : memref<3x256x128xf32, #tpu.memory_space<vmem>> -> memref<1x256x128xf32, #tpu.memory_space<vmem>>
    %dma_start3A_9 = tpu.memref_squeeze %dma_start3A_8 : memref<1x256x128xf32, #tpu.memory_space<vmem>> -> memref<256x128xf32, #tpu.memory_space<vmem>>
    %dma_start3A_10 = arith.constant 0 : i32
    %dma_start3A_11 = arith.constant 0 : i32
    %dma_start3A_12 = tpu.memref_slice %dma_start3A_9[%dma_start3A_10, %dma_start3A_11] : memref<256x128xf32, #tpu.memory_space<vmem>> -> memref<128x128xf32, #tpu.memory_space<vmem>>
    %dma_start3A_13 = arith.constant 0 : i32
    %dma_start3A_14 = tpu.memref_slice %arg5[%mul3A_5, %dma_start3A_13] : memref<200x128xi32, #tpu.memory_space<vmem>> -> memref<1x128xi32, #tpu.memory_space<vmem>>
    %dma_start3A_15 = tpu.memref_squeeze %dma_start3A_14 : memref<1x128xi32, #tpu.memory_space<vmem>> -> memref<128xi32, #tpu.memory_space<vmem>>
    %dma_start3A_16 = arith.constant 0 : i32
    %dma_start3A_17 = arith.constant 0 : i32
    %dma_start3A_18 = tpu.memref_slice %arg3[%dma_start3A_16, %dma_start3A_17] : memref<1000000x128xf32, #tpu.memory_space<hbm>> -> memref<1000000x128xf32, #tpu.memory_space<hbm>>
    tpu.enqueue_indirect_dma source(%dma_start3A_18 : memref<1000000x128xf32, #tpu.memory_space<hbm>>) target(%dma_start3A_12 : memref<128x128xf32, #tpu.memory_space<vmem>>) offsets(%dma_start3A_15 : memref<128xi32, #tpu.memory_space<vmem>>) semaphore(%arg7 : memref<!tpu.dma_semaphore, #tpu.memory_space<semaphore_mem>>)
    %add3A_19 = arith.constant 1 : i32
    %add3A_20 = arith.addi %mul3A_5, %add3A_19 : i32
    %dma_start3A_21 = arith.constant 0 : i32
    %dma_start3A_22 = arith.constant 0 : i32
    %dma_start3A_23 = arith.constant 0 : i32
    %dma_start3A_24 = tpu.memref_slice %arg6[%dma_start3A_21, %dma_start3A_22, %dma_start3A_23] : memref<3x256x128xf32, #tpu.memory_space<vmem>> -> memref<1x256x128xf32, #tpu.memory_space<vmem>>
    %dma_start3A_25 = tpu.memref_squeeze %dma_start3A_24 : memref<1x256x128xf32, #tpu.memory_space<vmem>> -> memref<256x128xf32, #tpu.memory_space<vmem>>
    %dma_start3A_26 = arith.constant 128 : i32
    %dma_start3A_27 = arith.constant 0 : i32
    %dma_start3A_28 = tpu.memref_slice %dma_start3A_25[%dma_start3A_26, %dma_start3A_27] : memref<256x128xf32, #tpu.memory_space<vmem>> -> memref<128x128xf32, #tpu.memory_space<vmem>>
    %dma_start3A_29 = arith.constant 0 : i32
    %dma_start3A_30 = tpu.memref_slice %arg5[%add3A_20, %dma_start3A_29] : memref<200x128xi32, #tpu.memory_space<vmem>> -> memref<1x128xi32, #tpu.memory_space<vmem>>
    %dma_start3A_31 = tpu.memref_squeeze %dma_start3A_30 : memref<1x128xi32, #tpu.memory_space<vmem>> -> memref<128xi32, #tpu.memory_space<vmem>>
    %dma_start3A_32 = arith.constant 0 : i32
    %dma_start3A_33 = arith.constant 0 : i32
    %dma_start3A_34 = tpu.memref_slice %arg3[%dma_start3A_32, %dma_start3A_33] : memref<1000000x128xf32, #tpu.memory_space<hbm>> -> memref<1000000x128xf32, #tpu.memory_space<hbm>>
    tpu.enqueue_indirect_dma source(%dma_start3A_34 : memref<1000000x128xf32, #tpu.memory_space<hbm>>) target(%dma_start3A_28 : memref<128x128xf32, #tpu.memory_space<vmem>>) offsets(%dma_start3A_31 : memref<128xi32, #tpu.memory_space<vmem>>) semaphore(%arg7 : memref<!tpu.dma_semaphore, #tpu.memory_space<semaphore_mem>>)
    %mul3A_35 = arith.constant 1 : i32
    %mul3A_36 = arith.constant 2 : i32
    %mul3A_37 = arith.muli %mul3A_35, %mul3A_36 : i32
    %dma_start3A_38 = arith.constant 1 : i32
    %dma_start3A_39 = arith.constant 0 : i32
    %dma_start3A_40 = arith.constant 0 : i32
    %dma_start3A_41 = tpu.memref_slice %arg6[%dma_start3A_38, %dma_start3A_39, %dma_start3A_40] : memref<3x256x128xf32, #tpu.memory_space<vmem>> -> memref<1x256x128xf32, #tpu.memory_space<vmem>>
    %dma_start3A_42 = tpu.memref_squeeze %dma_start3A_41 : memref<1x256x128xf32, #tpu.memory_space<vmem>> -> memref<256x128xf32, #tpu.memory_space<vmem>>
    %dma_start3A_43 = arith.constant 0 : i32
    %dma_start3A_44 = arith.constant 0 : i32
    %dma_start3A_45 = tpu.memref_slice %dma_start3A_42[%dma_start3A_43, %dma_start3A_44] : memref<256x128xf32, #tpu.memory_space<vmem>> -> memref<128x128xf32, #tpu.memory_space<vmem>>
    %dma_start3A_46 = arith.constant 0 : i32
    %dma_start3A_47 = tpu.memref_slice %arg5[%mul3A_37, %dma_start3A_46] : memref<200x128xi32, #tpu.memory_space<vmem>> -> memref<1x128xi32, #tpu.memory_space<vmem>>
    %dma_start3A_48 = tpu.memref_squeeze %dma_start3A_47 : memref<1x128xi32, #tpu.memory_space<vmem>> -> memref<128xi32, #tpu.memory_space<vmem>>
    %dma_start3A_49 = arith.constant 0 : i32
    %dma_start3A_50 = arith.constant 0 : i32
    %dma_start3A_51 = tpu.memref_slice %arg3[%dma_start3A_49, %dma_start3A_50] : memref<1000000x128xf32, #tpu.memory_space<hbm>> -> memref<1000000x128xf32, #tpu.memory_space<hbm>>
    tpu.enqueue_indirect_dma source(%dma_start3A_51 : memref<1000000x128xf32, #tpu.memory_space<hbm>>) target(%dma_start3A_45 : memref<128x128xf32, #tpu.memory_space<vmem>>) offsets(%dma_start3A_48 : memref<128xi32, #tpu.memory_space<vmem>>) semaphore(%arg8 : memref<!tpu.dma_semaphore, #tpu.memory_space<semaphore_mem>>)
    %add3A_52 = arith.constant 1 : i32
    %add3A_53 = arith.addi %mul3A_37, %add3A_52 : i32
    %dma_start3A_54 = arith.constant 1 : i32
    %dma_start3A_55 = arith.constant 0 : i32
    %dma_start3A_56 = arith.constant 0 : i32
    %dma_start3A_57 = tpu.memref_slice %arg6[%dma_start3A_54, %dma_start3A_55, %dma_start3A_56] : memref<3x256x128xf32, #tpu.memory_space<vmem>> -> memref<1x256x128xf32, #tpu.memory_space<vmem>>
    %dma_start3A_58 = tpu.memref_squeeze %dma_start3A_57 : memref<1x256x128xf32, #tpu.memory_space<vmem>> -> memref<256x128xf32, #tpu.memory_space<vmem>>
    %dma_start3A_59 = arith.constant 128 : i32
    %dma_start3A_60 = arith.constant 0 : i32
    %dma_start3A_61 = tpu.memref_slice %dma_start3A_58[%dma_start3A_59, %dma_start3A_60] : memref<256x128xf32, #tpu.memory_space<vmem>> -> memref<128x128xf32, #tpu.memory_space<vmem>>
    %dma_start3A_62 = arith.constant 0 : i32
    %dma_start3A_63 = tpu.memref_slice %arg5[%add3A_53, %dma_start3A_62] : memref<200x128xi32, #tpu.memory_space<vmem>> -> memref<1x128xi32, #tpu.memory_space<vmem>>
    %dma_start3A_64 = tpu.memref_squeeze %dma_start3A_63 : memref<1x128xi32, #tpu.memory_space<vmem>> -> memref<128xi32, #tpu.memory_space<vmem>>
    %dma_start3A_65 = arith.constant 0 : i32
    %dma_start3A_66 = arith.constant 0 : i32
    %dma_start3A_67 = tpu.memref_slice %arg3[%dma_start3A_65, %dma_start3A_66] : memref<1000000x128xf32, #tpu.memory_space<hbm>> -> memref<1000000x128xf32, #tpu.memory_space<hbm>>
    tpu.enqueue_indirect_dma source(%dma_start3A_67 : memref<1000000x128xf32, #tpu.memory_space<hbm>>) target(%dma_start3A_61 : memref<128x128xf32, #tpu.memory_space<vmem>>) offsets(%dma_start3A_64 : memref<128xi32, #tpu.memory_space<vmem>>) semaphore(%arg8 : memref<!tpu.dma_semaphore, #tpu.memory_space<semaphore_mem>>)
    %while3A = arith.constant 0 : i32
    %while3A_68 = arith.constant 0 : i32
    %while3A_69 = arith.constant 100 : i32
    %while3A_70 = arith.subi %while3A_69, %while3A_68 : i32
    %while3A_71 = arith.addi %while3A_68, %while3A_70 : i32
    %while3A_72 = arith.constant 1 : i32
    %while3A_73 = arith.divsi %while3A_70, %while3A_72 : i32
    %while3A_74 = arith.muli %while3A_73, %while3A_72 : i32
    %while3A_75 = arith.addi %while3A_68, %while3A_74 : i32
    %while3A_76 = arith.constant 1 : i32
    scf.for %while3A_116 = %while3A_68 to %while3A_75 step %while3A_76  : i32 {
      %rem3A = arith.constant 3 : i32
      %rem3A_117 = arith.remsi %while3A_116, %rem3A : i32
      %eq3A = arith.constant 0 : i32
      %eq3A_118 = arith.cmpi eq, %rem3A_117, %eq3A : i32
      %convert_element_type3A = arith.extui %eq3A_118 : i1 to i32
      %cond3A = arith.constant 0 : i32
      %cond3A_119 = arith.cmpi ne, %convert_element_type3A, %cond3A : i32
      scf.if %cond3A_119 {
        %add3A_134 = arith.constant 2 : i32
        %add3A_135 = arith.addi %while3A_116, %add3A_134 : i32
        %lt3A = arith.constant 100 : i32
        %lt3A_136 = arith.cmpi slt, %add3A_135, %lt3A : i32
        %convert_element_type3A_137 = arith.extui %lt3A_136 : i1 to i32
        %cond3A_138 = arith.constant 0 : i32
        %cond3A_139 = arith.cmpi ne, %convert_element_type3A_137, %cond3A_138 : i32
        scf.if %cond3A_139 {
          %ge3A = arith.constant 1 : i32
          %ge3A_186 = arith.cmpi sge, %while3A_116, %ge3A : i32
          %convert_element_type3A_187 = arith.extui %ge3A_186 : i1 to i32
          %cond3A_188 = arith.constant 0 : i32
          %cond3A_189 = arith.cmpi ne, %convert_element_type3A_187, %cond3A_188 : i32
          scf.if %cond3A_189 {
            %dma_wait3A_224 = arith.constant 2 : i32
            %dma_wait3A_225 = arith.constant 0 : i32
            %dma_wait3A_226 = arith.constant 0 : i32
            %dma_wait3A_227 = tpu.memref_slice %arg6[%dma_wait3A_224, %dma_wait3A_225, %dma_wait3A_226] : memref<3x256x128xf32, #tpu.memory_space<vmem>> -> memref<1x256x128xf32, #tpu.memory_space<vmem>>
            %dma_wait3A_228 = tpu.memref_squeeze %dma_wait3A_227 : memref<1x256x128xf32, #tpu.memory_space<vmem>> -> memref<256x128xf32, #tpu.memory_space<vmem>>
            %dma_wait3A_229 = arith.constant 0 : i32
            %dma_wait3A_230 = tpu.memref_slice %arg4[%mul3A_2, %dma_wait3A_229] : memref<819200x128xf32, #tpu.memory_space<hbm>> -> memref<256x128xf32, #tpu.memory_space<hbm>>
            %dma_wait3A_231 = arith.constant 0 : i32
            %dma_wait3A_232 = tpu.memref_slice %arg4[%mul3A_2, %dma_wait3A_231] : memref<819200x128xf32, #tpu.memory_space<hbm>> -> memref<256x128xf32, #tpu.memory_space<hbm>>
            %dma_wait3A_233 = arith.constant 0 : i32
            %dma_wait3A_234 = arith.constant 0 : i32
            %dma_wait3A_235 = tpu.memref_slice %arg6[%dma_wait3A_224, %dma_wait3A_233, %dma_wait3A_234] : memref<3x256x128xf32, #tpu.memory_space<vmem>> -> memref<1x256x128xf32, #tpu.memory_space<vmem>>
            %dma_wait3A_236 = tpu.memref_squeeze %dma_wait3A_235 : memref<1x256x128xf32, #tpu.memory_space<vmem>> -> memref<256x128xf32, #tpu.memory_space<vmem>>
            tpu.wait_dma2 semaphore(%arg12 : memref<!tpu.dma_semaphore, #tpu.memory_space<semaphore_mem>>) src(%dma_wait3A_236 : memref<256x128xf32, #tpu.memory_space<vmem>>) dst(%dma_wait3A_232 : memref<256x128xf32, #tpu.memory_space<hbm>>)
          } else {
          }
          %add3A_190 = arith.constant 2 : i32
          %add3A_191 = arith.addi %while3A_116, %add3A_190 : i32
          %mul3A_192 = arith.constant 2 : i32
          %mul3A_193 = arith.muli %add3A_191, %mul3A_192 : i32
          %dma_start3A_194 = arith.constant 2 : i32
          %dma_start3A_195 = arith.constant 0 : i32
          %dma_start3A_196 = arith.constant 0 : i32
          %dma_start3A_197 = tpu.memref_slice %arg6[%dma_start3A_194, %dma_start3A_195, %dma_start3A_196] : memref<3x256x128xf32, #tpu.memory_space<vmem>> -> memref<1x256x128xf32, #tpu.memory_space<vmem>>
          %dma_start3A_198 = tpu.memref_squeeze %dma_start3A_197 : memref<1x256x128xf32, #tpu.memory_space<vmem>> -> memref<256x128xf32, #tpu.memory_space<vmem>>
          %dma_start3A_199 = arith.constant 0 : i32
          %dma_start3A_200 = arith.constant 0 : i32
          %dma_start3A_201 = tpu.memref_slice %dma_start3A_198[%dma_start3A_199, %dma_start3A_200] : memref<256x128xf32, #tpu.memory_space<vmem>> -> memref<128x128xf32, #tpu.memory_space<vmem>>
          %dma_start3A_202 = arith.constant 0 : i32
          %dma_start3A_203 = tpu.memref_slice %arg5[%mul3A_193, %dma_start3A_202] : memref<200x128xi32, #tpu.memory_space<vmem>> -> memref<1x128xi32, #tpu.memory_space<vmem>>
          %dma_start3A_204 = tpu.memref_squeeze %dma_start3A_203 : memref<1x128xi32, #tpu.memory_space<vmem>> -> memref<128xi32, #tpu.memory_space<vmem>>
          %dma_start3A_205 = arith.constant 0 : i32
          %dma_start3A_206 = arith.constant 0 : i32
          %dma_start3A_207 = tpu.memref_slice %arg3[%dma_start3A_205, %dma_start3A_206] : memref<1000000x128xf32, #tpu.memory_space<hbm>> -> memref<1000000x128xf32, #tpu.memory_space<hbm>>
          tpu.enqueue_indirect_dma source(%dma_start3A_207 : memref<1000000x128xf32, #tpu.memory_space<hbm>>) target(%dma_start3A_201 : memref<128x128xf32, #tpu.memory_space<vmem>>) offsets(%dma_start3A_204 : memref<128xi32, #tpu.memory_space<vmem>>) semaphore(%arg9 : memref<!tpu.dma_semaphore, #tpu.memory_space<semaphore_mem>>)
          %add3A_208 = arith.constant 1 : i32
          %add3A_209 = arith.addi %mul3A_193, %add3A_208 : i32
          %dma_start3A_210 = arith.constant 2 : i32
          %dma_start3A_211 = arith.constant 0 : i32
          %dma_start3A_212 = arith.constant 0 : i32
          %dma_start3A_213 = tpu.memref_slice %arg6[%dma_start3A_210, %dma_start3A_211, %dma_start3A_212] : memref<3x256x128xf32, #tpu.memory_space<vmem>> -> memref<1x256x128xf32, #tpu.memory_space<vmem>>
          %dma_start3A_214 = tpu.memref_squeeze %dma_start3A_213 : memref<1x256x128xf32, #tpu.memory_space<vmem>> -> memref<256x128xf32, #tpu.memory_space<vmem>>
          %dma_start3A_215 = arith.constant 128 : i32
          %dma_start3A_216 = arith.constant 0 : i32
          %dma_start3A_217 = tpu.memref_slice %dma_start3A_214[%dma_start3A_215, %dma_start3A_216] : memref<256x128xf32, #tpu.memory_space<vmem>> -> memref<128x128xf32, #tpu.memory_space<vmem>>
          %dma_start3A_218 = arith.constant 0 : i32
          %dma_start3A_219 = tpu.memref_slice %arg5[%add3A_209, %dma_start3A_218] : memref<200x128xi32, #tpu.memory_space<vmem>> -> memref<1x128xi32, #tpu.memory_space<vmem>>
          %dma_start3A_220 = tpu.memref_squeeze %dma_start3A_219 : memref<1x128xi32, #tpu.memory_space<vmem>> -> memref<128xi32, #tpu.memory_space<vmem>>
          %dma_start3A_221 = arith.constant 0 : i32
          %dma_start3A_222 = arith.constant 0 : i32
          %dma_start3A_223 = tpu.memref_slice %arg3[%dma_start3A_221, %dma_start3A_222] : memref<1000000x128xf32, #tpu.memory_space<hbm>> -> memref<1000000x128xf32, #tpu.memory_space<hbm>>
          tpu.enqueue_indirect_dma source(%dma_start3A_223 : memref<1000000x128xf32, #tpu.memory_space<hbm>>) target(%dma_start3A_217 : memref<128x128xf32, #tpu.memory_space<vmem>>) offsets(%dma_start3A_220 : memref<128xi32, #tpu.memory_space<vmem>>) semaphore(%arg9 : memref<!tpu.dma_semaphore, #tpu.memory_space<semaphore_mem>>)
        } else {
        }
        %dma_wait3A_140 = arith.constant 0 : i32
        %dma_wait3A_141 = arith.constant 0 : i32
        %dma_wait3A_142 = arith.constant 0 : i32
        %dma_wait3A_143 = arith.constant 0 : i32
        %dma_wait3A_144 = tpu.memref_slice %arg6[%dma_wait3A_141, %dma_wait3A_142, %dma_wait3A_143] : memref<3x256x128xf32, #tpu.memory_space<vmem>> -> memref<1x256x128xf32, #tpu.memory_space<vmem>>
        %dma_wait3A_145 = tpu.memref_squeeze %dma_wait3A_144 : memref<1x256x128xf32, #tpu.memory_space<vmem>> -> memref<256x128xf32, #tpu.memory_space<vmem>>
        %dma_wait3A_146 = arith.constant 0 : i32
        %dma_wait3A_147 = arith.constant 0 : i32
        %dma_wait3A_148 = tpu.memref_slice %dma_wait3A_145[%dma_wait3A_146, %dma_wait3A_147] : memref<256x128xf32, #tpu.memory_space<vmem>> -> memref<128x128xf32, #tpu.memory_space<vmem>>
        %dma_wait3A_149 = arith.constant 0 : i32
        %dma_wait3A_150 = tpu.memref_slice %arg5[%dma_wait3A_140, %dma_wait3A_149] : memref<200x128xi32, #tpu.memory_space<vmem>> -> memref<1x128xi32, #tpu.memory_space<vmem>>
        %dma_wait3A_151 = tpu.memref_squeeze %dma_wait3A_150 : memref<1x128xi32, #tpu.memory_space<vmem>> -> memref<128xi32, #tpu.memory_space<vmem>>
        %dma_wait3A_152 = arith.constant 0 : i32
        %dma_wait3A_153 = arith.constant 0 : i32
        %dma_wait3A_154 = tpu.memref_slice %arg3[%dma_wait3A_152, %dma_wait3A_153] : memref<1000000x128xf32, #tpu.memory_space<hbm>> -> memref<1000000x128xf32, #tpu.memory_space<hbm>>
        tpu.wait_indirect_dma semaphore(%arg7 : memref<!tpu.dma_semaphore, #tpu.memory_space<semaphore_mem>>) src(%dma_wait3A_154 : memref<1000000x128xf32, #tpu.memory_space<hbm>>) dst(%dma_wait3A_148 : memref<128x128xf32, #tpu.memory_space<vmem>>)
        %dma_wait3A_155 = arith.constant 0 : i32
        %dma_wait3A_156 = arith.constant 0 : i32
        %dma_wait3A_157 = arith.constant 0 : i32
        %dma_wait3A_158 = arith.constant 0 : i32
        %dma_wait3A_159 = tpu.memref_slice %arg6[%dma_wait3A_156, %dma_wait3A_157, %dma_wait3A_158] : memref<3x256x128xf32, #tpu.memory_space<vmem>> -> memref<1x256x128xf32, #tpu.memory_space<vmem>>
        %dma_wait3A_160 = tpu.memref_squeeze %dma_wait3A_159 : memref<1x256x128xf32, #tpu.memory_space<vmem>> -> memref<256x128xf32, #tpu.memory_space<vmem>>
        %dma_wait3A_161 = arith.constant 128 : i32
        %dma_wait3A_162 = arith.constant 0 : i32
        %dma_wait3A_163 = tpu.memref_slice %dma_wait3A_160[%dma_wait3A_161, %dma_wait3A_162] : memref<256x128xf32, #tpu.memory_space<vmem>> -> memref<128x128xf32, #tpu.memory_space<vmem>>
        %dma_wait3A_164 = arith.constant 0 : i32
        %dma_wait3A_165 = tpu.memref_slice %arg5[%dma_wait3A_155, %dma_wait3A_164] : memref<200x128xi32, #tpu.memory_space<vmem>> -> memref<1x128xi32, #tpu.memory_space<vmem>>
        %dma_wait3A_166 = tpu.memref_squeeze %dma_wait3A_165 : memref<1x128xi32, #tpu.memory_space<vmem>> -> memref<128xi32, #tpu.memory_space<vmem>>
        %dma_wait3A_167 = arith.constant 0 : i32
        %dma_wait3A_168 = arith.constant 0 : i32
        %dma_wait3A_169 = tpu.memref_slice %arg3[%dma_wait3A_167, %dma_wait3A_168] : memref<1000000x128xf32, #tpu.memory_space<hbm>> -> memref<1000000x128xf32, #tpu.memory_space<hbm>>
        tpu.wait_indirect_dma semaphore(%arg7 : memref<!tpu.dma_semaphore, #tpu.memory_space<semaphore_mem>>) src(%dma_wait3A_169 : memref<1000000x128xf32, #tpu.memory_space<hbm>>) dst(%dma_wait3A_163 : memref<128x128xf32, #tpu.memory_space<vmem>>)
        %mul3A_170 = arith.constant 256 : i32
        %mul3A_171 = arith.muli %while3A_116, %mul3A_170 : i32
        %add3A_172 = arith.addi %mul3A_2, %mul3A_171 : i32
        %dma_start3A_173 = arith.constant 0 : i32
        %dma_start3A_174 = arith.constant 0 : i32
        %dma_start3A_175 = arith.constant 0 : i32
        %dma_start3A_176 = tpu.memref_slice %arg6[%dma_start3A_173, %dma_start3A_174, %dma_start3A_175] : memref<3x256x128xf32, #tpu.memory_space<vmem>> -> memref<1x256x128xf32, #tpu.memory_space<vmem>>
        %dma_start3A_177 = tpu.memref_squeeze %dma_start3A_176 : memref<1x256x128xf32, #tpu.memory_space<vmem>> -> memref<256x128xf32, #tpu.memory_space<vmem>>
        %dma_start3A_178 = arith.constant 0 : i32
        %dma_start3A_179 = tpu.memref_slice %arg4[%add3A_172, %dma_start3A_178] : memref<819200x128xf32, #tpu.memory_space<hbm>> -> memref<256x128xf32, #tpu.memory_space<hbm>>
        %dma_start3A_180 = arith.constant 0 : i32
        %dma_start3A_181 = tpu.memref_slice %arg4[%add3A_172, %dma_start3A_180] : memref<819200x128xf32, #tpu.memory_space<hbm>> -> memref<256x128xf32, #tpu.memory_space<hbm>>
        %dma_start3A_182 = arith.constant 0 : i32
        %dma_start3A_183 = arith.constant 0 : i32
        %dma_start3A_184 = tpu.memref_slice %arg6[%dma_start3A_173, %dma_start3A_182, %dma_start3A_183] : memref<3x256x128xf32, #tpu.memory_space<vmem>> -> memref<1x256x128xf32, #tpu.memory_space<vmem>>
        %dma_start3A_185 = tpu.memref_squeeze %dma_start3A_184 : memref<1x256x128xf32, #tpu.memory_space<vmem>> -> memref<256x128xf32, #tpu.memory_space<vmem>>
        tpu.enqueue_dma source(%dma_start3A_185 : memref<256x128xf32, #tpu.memory_space<vmem>>) target(%dma_start3A_181 : memref<256x128xf32, #tpu.memory_space<hbm>>) target_semaphore(%arg10 : memref<!tpu.dma_semaphore, #tpu.memory_space<semaphore_mem>>)
      } else {
      }
      %rem3A_120 = arith.constant 3 : i32
      %rem3A_121 = arith.remsi %while3A_116, %rem3A_120 : i32
      %eq3A_122 = arith.constant 1 : i32
      %eq3A_123 = arith.cmpi eq, %rem3A_121, %eq3A_122 : i32
      %convert_element_type3A_124 = arith.extui %eq3A_123 : i1 to i32
      %cond3A_125 = arith.constant 0 : i32
      %cond3A_126 = arith.cmpi ne, %convert_element_type3A_124, %cond3A_125 : i32
      scf.if %cond3A_126 {
        %add3A_134 = arith.constant 2 : i32
        %add3A_135 = arith.addi %while3A_116, %add3A_134 : i32
        %lt3A = arith.constant 100 : i32
        %lt3A_136 = arith.cmpi slt, %add3A_135, %lt3A : i32
        %convert_element_type3A_137 = arith.extui %lt3A_136 : i1 to i32
        %cond3A_138 = arith.constant 0 : i32
        %cond3A_139 = arith.cmpi ne, %convert_element_type3A_137, %cond3A_138 : i32
        scf.if %cond3A_139 {
          %ge3A = arith.constant 1 : i32
          %ge3A_186 = arith.cmpi sge, %while3A_116, %ge3A : i32
          %convert_element_type3A_187 = arith.extui %ge3A_186 : i1 to i32
          %cond3A_188 = arith.constant 0 : i32
          %cond3A_189 = arith.cmpi ne, %convert_element_type3A_187, %cond3A_188 : i32
          scf.if %cond3A_189 {
            %dma_wait3A_224 = arith.constant 0 : i32
            %dma_wait3A_225 = arith.constant 0 : i32
            %dma_wait3A_226 = arith.constant 0 : i32
            %dma_wait3A_227 = tpu.memref_slice %arg6[%dma_wait3A_224, %dma_wait3A_225, %dma_wait3A_226] : memref<3x256x128xf32, #tpu.memory_space<vmem>> -> memref<1x256x128xf32, #tpu.memory_space<vmem>>
            %dma_wait3A_228 = tpu.memref_squeeze %dma_wait3A_227 : memref<1x256x128xf32, #tpu.memory_space<vmem>> -> memref<256x128xf32, #tpu.memory_space<vmem>>
            %dma_wait3A_229 = arith.constant 0 : i32
            %dma_wait3A_230 = tpu.memref_slice %arg4[%mul3A_2, %dma_wait3A_229] : memref<819200x128xf32, #tpu.memory_space<hbm>> -> memref<256x128xf32, #tpu.memory_space<hbm>>
            %dma_wait3A_231 = arith.constant 0 : i32
            %dma_wait3A_232 = tpu.memref_slice %arg4[%mul3A_2, %dma_wait3A_231] : memref<819200x128xf32, #tpu.memory_space<hbm>> -> memref<256x128xf32, #tpu.memory_space<hbm>>
            %dma_wait3A_233 = arith.constant 0 : i32
            %dma_wait3A_234 = arith.constant 0 : i32
            %dma_wait3A_235 = tpu.memref_slice %arg6[%dma_wait3A_224, %dma_wait3A_233, %dma_wait3A_234] : memref<3x256x128xf32, #tpu.memory_space<vmem>> -> memref<1x256x128xf32, #tpu.memory_space<vmem>>
            %dma_wait3A_236 = tpu.memref_squeeze %dma_wait3A_235 : memref<1x256x128xf32, #tpu.memory_space<vmem>> -> memref<256x128xf32, #tpu.memory_space<vmem>>
            tpu.wait_dma2 semaphore(%arg10 : memref<!tpu.dma_semaphore, #tpu.memory_space<semaphore_mem>>) src(%dma_wait3A_236 : memref<256x128xf32, #tpu.memory_space<vmem>>) dst(%dma_wait3A_232 : memref<256x128xf32, #tpu.memory_space<hbm>>)
          } else {
          }
          %add3A_190 = arith.constant 2 : i32
          %add3A_191 = arith.addi %while3A_116, %add3A_190 : i32
          %mul3A_192 = arith.constant 2 : i32
          %mul3A_193 = arith.muli %add3A_191, %mul3A_192 : i32
          %dma_start3A_194 = arith.constant 0 : i32
          %dma_start3A_195 = arith.constant 0 : i32
          %dma_start3A_196 = arith.constant 0 : i32
          %dma_start3A_197 = tpu.memref_slice %arg6[%dma_start3A_194, %dma_start3A_195, %dma_start3A_196] : memref<3x256x128xf32, #tpu.memory_space<vmem>> -> memref<1x256x128xf32, #tpu.memory_space<vmem>>
          %dma_start3A_198 = tpu.memref_squeeze %dma_start3A_197 : memref<1x256x128xf32, #tpu.memory_space<vmem>> -> memref<256x128xf32, #tpu.memory_space<vmem>>
          %dma_start3A_199 = arith.constant 0 : i32
          %dma_start3A_200 = arith.constant 0 : i32
          %dma_start3A_201 = tpu.memref_slice %dma_start3A_198[%dma_start3A_199, %dma_start3A_200] : memref<256x128xf32, #tpu.memory_space<vmem>> -> memref<128x128xf32, #tpu.memory_space<vmem>>
          %dma_start3A_202 = arith.constant 0 : i32
          %dma_start3A_203 = tpu.memref_slice %arg5[%mul3A_193, %dma_start3A_202] : memref<200x128xi32, #tpu.memory_space<vmem>> -> memref<1x128xi32, #tpu.memory_space<vmem>>
          %dma_start3A_204 = tpu.memref_squeeze %dma_start3A_203 : memref<1x128xi32, #tpu.memory_space<vmem>> -> memref<128xi32, #tpu.memory_space<vmem>>
          %dma_start3A_205 = arith.constant 0 : i32
          %dma_start3A_206 = arith.constant 0 : i32
          %dma_start3A_207 = tpu.memref_slice %arg3[%dma_start3A_205, %dma_start3A_206] : memref<1000000x128xf32, #tpu.memory_space<hbm>> -> memref<1000000x128xf32, #tpu.memory_space<hbm>>
          tpu.enqueue_indirect_dma source(%dma_start3A_207 : memref<1000000x128xf32, #tpu.memory_space<hbm>>) target(%dma_start3A_201 : memref<128x128xf32, #tpu.memory_space<vmem>>) offsets(%dma_start3A_204 : memref<128xi32, #tpu.memory_space<vmem>>) semaphore(%arg7 : memref<!tpu.dma_semaphore, #tpu.memory_space<semaphore_mem>>)
          %add3A_208 = arith.constant 1 : i32
          %add3A_209 = arith.addi %mul3A_193, %add3A_208 : i32
          %dma_start3A_210 = arith.constant 0 : i32
          %dma_start3A_211 = arith.constant 0 : i32
          %dma_start3A_212 = arith.constant 0 : i32
          %dma_start3A_213 = tpu.memref_slice %arg6[%dma_start3A_210, %dma_start3A_211, %dma_start3A_212] : memref<3x256x128xf32, #tpu.memory_space<vmem>> -> memref<1x256x128xf32, #tpu.memory_space<vmem>>
          %dma_start3A_214 = tpu.memref_squeeze %dma_start3A_213 : memref<1x256x128xf32, #tpu.memory_space<vmem>> -> memref<256x128xf32, #tpu.memory_space<vmem>>
          %dma_start3A_215 = arith.constant 128 : i32
          %dma_start3A_216 = arith.constant 0 : i32
          %dma_start3A_217 = tpu.memref_slice %dma_start3A_214[%dma_start3A_215, %dma_start3A_216] : memref<256x128xf32, #tpu.memory_space<vmem>> -> memref<128x128xf32, #tpu.memory_space<vmem>>
          %dma_start3A_218 = arith.constant 0 : i32
          %dma_start3A_219 = tpu.memref_slice %arg5[%add3A_209, %dma_start3A_218] : memref<200x128xi32, #tpu.memory_space<vmem>> -> memref<1x128xi32, #tpu.memory_space<vmem>>
          %dma_start3A_220 = tpu.memref_squeeze %dma_start3A_219 : memref<1x128xi32, #tpu.memory_space<vmem>> -> memref<128xi32, #tpu.memory_space<vmem>>
          %dma_start3A_221 = arith.constant 0 : i32
          %dma_start3A_222 = arith.constant 0 : i32
          %dma_start3A_223 = tpu.memref_slice %arg3[%dma_start3A_221, %dma_start3A_222] : memref<1000000x128xf32, #tpu.memory_space<hbm>> -> memref<1000000x128xf32, #tpu.memory_space<hbm>>
          tpu.enqueue_indirect_dma source(%dma_start3A_223 : memref<1000000x128xf32, #tpu.memory_space<hbm>>) target(%dma_start3A_217 : memref<128x128xf32, #tpu.memory_space<vmem>>) offsets(%dma_start3A_220 : memref<128xi32, #tpu.memory_space<vmem>>) semaphore(%arg7 : memref<!tpu.dma_semaphore, #tpu.memory_space<semaphore_mem>>)
        } else {
        }
        %dma_wait3A_140 = arith.constant 0 : i32
        %dma_wait3A_141 = arith.constant 1 : i32
        %dma_wait3A_142 = arith.constant 0 : i32
        %dma_wait3A_143 = arith.constant 0 : i32
        %dma_wait3A_144 = tpu.memref_slice %arg6[%dma_wait3A_141, %dma_wait3A_142, %dma_wait3A_143] : memref<3x256x128xf32, #tpu.memory_space<vmem>> -> memref<1x256x128xf32, #tpu.memory_space<vmem>>
        %dma_wait3A_145 = tpu.memref_squeeze %dma_wait3A_144 : memref<1x256x128xf32, #tpu.memory_space<vmem>> -> memref<256x128xf32, #tpu.memory_space<vmem>>
        %dma_wait3A_146 = arith.constant 0 : i32
        %dma_wait3A_147 = arith.constant 0 : i32
        %dma_wait3A_148 = tpu.memref_slice %dma_wait3A_145[%dma_wait3A_146, %dma_wait3A_147] : memref<256x128xf32, #tpu.memory_space<vmem>> -> memref<128x128xf32, #tpu.memory_space<vmem>>
        %dma_wait3A_149 = arith.constant 0 : i32
        %dma_wait3A_150 = tpu.memref_slice %arg5[%dma_wait3A_140, %dma_wait3A_149] : memref<200x128xi32, #tpu.memory_space<vmem>> -> memref<1x128xi32, #tpu.memory_space<vmem>>
        %dma_wait3A_151 = tpu.memref_squeeze %dma_wait3A_150 : memref<1x128xi32, #tpu.memory_space<vmem>> -> memref<128xi32, #tpu.memory_space<vmem>>
        %dma_wait3A_152 = arith.constant 0 : i32
        %dma_wait3A_153 = arith.constant 0 : i32
        %dma_wait3A_154 = tpu.memref_slice %arg3[%dma_wait3A_152, %dma_wait3A_153] : memref<1000000x128xf32, #tpu.memory_space<hbm>> -> memref<1000000x128xf32, #tpu.memory_space<hbm>>
        tpu.wait_indirect_dma semaphore(%arg8 : memref<!tpu.dma_semaphore, #tpu.memory_space<semaphore_mem>>) src(%dma_wait3A_154 : memref<1000000x128xf32, #tpu.memory_space<hbm>>) dst(%dma_wait3A_148 : memref<128x128xf32, #tpu.memory_space<vmem>>)
        %dma_wait3A_155 = arith.constant 0 : i32
        %dma_wait3A_156 = arith.constant 1 : i32
        %dma_wait3A_157 = arith.constant 0 : i32
        %dma_wait3A_158 = arith.constant 0 : i32
        %dma_wait3A_159 = tpu.memref_slice %arg6[%dma_wait3A_156, %dma_wait3A_157, %dma_wait3A_158] : memref<3x256x128xf32, #tpu.memory_space<vmem>> -> memref<1x256x128xf32, #tpu.memory_space<vmem>>
        %dma_wait3A_160 = tpu.memref_squeeze %dma_wait3A_159 : memref<1x256x128xf32, #tpu.memory_space<vmem>> -> memref<256x128xf32, #tpu.memory_space<vmem>>
        %dma_wait3A_161 = arith.constant 128 : i32
        %dma_wait3A_162 = arith.constant 0 : i32
        %dma_wait3A_163 = tpu.memref_slice %dma_wait3A_160[%dma_wait3A_161, %dma_wait3A_162] : memref<256x128xf32, #tpu.memory_space<vmem>> -> memref<128x128xf32, #tpu.memory_space<vmem>>
        %dma_wait3A_164 = arith.constant 0 : i32
        %dma_wait3A_165 = tpu.memref_slice %arg5[%dma_wait3A_155, %dma_wait3A_164] : memref<200x128xi32, #tpu.memory_space<vmem>> -> memref<1x128xi32, #tpu.memory_space<vmem>>
        %dma_wait3A_166 = tpu.memref_squeeze %dma_wait3A_165 : memref<1x128xi32, #tpu.memory_space<vmem>> -> memref<128xi32, #tpu.memory_space<vmem>>
        %dma_wait3A_167 = arith.constant 0 : i32
        %dma_wait3A_168 = arith.constant 0 : i32
        %dma_wait3A_169 = tpu.memref_slice %arg3[%dma_wait3A_167, %dma_wait3A_168] : memref<1000000x128xf32, #tpu.memory_space<hbm>> -> memref<1000000x128xf32, #tpu.memory_space<hbm>>
        tpu.wait_indirect_dma semaphore(%arg8 : memref<!tpu.dma_semaphore, #tpu.memory_space<semaphore_mem>>) src(%dma_wait3A_169 : memref<1000000x128xf32, #tpu.memory_space<hbm>>) dst(%dma_wait3A_163 : memref<128x128xf32, #tpu.memory_space<vmem>>)
        %mul3A_170 = arith.constant 256 : i32
        %mul3A_171 = arith.muli %while3A_116, %mul3A_170 : i32
        %add3A_172 = arith.addi %mul3A_2, %mul3A_171 : i32
        %dma_start3A_173 = arith.constant 1 : i32
        %dma_start3A_174 = arith.constant 0 : i32
        %dma_start3A_175 = arith.constant 0 : i32
        %dma_start3A_176 = tpu.memref_slice %arg6[%dma_start3A_173, %dma_start3A_174, %dma_start3A_175] : memref<3x256x128xf32, #tpu.memory_space<vmem>> -> memref<1x256x128xf32, #tpu.memory_space<vmem>>
        %dma_start3A_177 = tpu.memref_squeeze %dma_start3A_176 : memref<1x256x128xf32, #tpu.memory_space<vmem>> -> memref<256x128xf32, #tpu.memory_space<vmem>>
        %dma_start3A_178 = arith.constant 0 : i32
        %dma_start3A_179 = tpu.memref_slice %arg4[%add3A_172, %dma_start3A_178] : memref<819200x128xf32, #tpu.memory_space<hbm>> -> memref<256x128xf32, #tpu.memory_space<hbm>>
        %dma_start3A_180 = arith.constant 0 : i32
        %dma_start3A_181 = tpu.memref_slice %arg4[%add3A_172, %dma_start3A_180] : memref<819200x128xf32, #tpu.memory_space<hbm>> -> memref<256x128xf32, #tpu.memory_space<hbm>>
        %dma_start3A_182 = arith.constant 0 : i32
        %dma_start3A_183 = arith.constant 0 : i32
        %dma_start3A_184 = tpu.memref_slice %arg6[%dma_start3A_173, %dma_start3A_182, %dma_start3A_183] : memref<3x256x128xf32, #tpu.memory_space<vmem>> -> memref<1x256x128xf32, #tpu.memory_space<vmem>>
        %dma_start3A_185 = tpu.memref_squeeze %dma_start3A_184 : memref<1x256x128xf32, #tpu.memory_space<vmem>> -> memref<256x128xf32, #tpu.memory_space<vmem>>
        tpu.enqueue_dma source(%dma_start3A_185 : memref<256x128xf32, #tpu.memory_space<vmem>>) target(%dma_start3A_181 : memref<256x128xf32, #tpu.memory_space<hbm>>) target_semaphore(%arg11 : memref<!tpu.dma_semaphore, #tpu.memory_space<semaphore_mem>>)
      } else {
      }
      %rem3A_127 = arith.constant 3 : i32
      %rem3A_128 = arith.remsi %while3A_116, %rem3A_127 : i32
      %eq3A_129 = arith.constant 2 : i32
      %eq3A_130 = arith.cmpi eq, %rem3A_128, %eq3A_129 : i32
      %convert_element_type3A_131 = arith.extui %eq3A_130 : i1 to i32
      %cond3A_132 = arith.constant 0 : i32
      %cond3A_133 = arith.cmpi ne, %convert_element_type3A_131, %cond3A_132 : i32
      scf.if %cond3A_133 {
        %add3A_134 = arith.constant 2 : i32
        %add3A_135 = arith.addi %while3A_116, %add3A_134 : i32
        %lt3A = arith.constant 100 : i32
        %lt3A_136 = arith.cmpi slt, %add3A_135, %lt3A : i32
        %convert_element_type3A_137 = arith.extui %lt3A_136 : i1 to i32
        %cond3A_138 = arith.constant 0 : i32
        %cond3A_139 = arith.cmpi ne, %convert_element_type3A_137, %cond3A_138 : i32
        scf.if %cond3A_139 {
          %ge3A = arith.constant 1 : i32
          %ge3A_186 = arith.cmpi sge, %while3A_116, %ge3A : i32
          %convert_element_type3A_187 = arith.extui %ge3A_186 : i1 to i32
          %cond3A_188 = arith.constant 0 : i32
          %cond3A_189 = arith.cmpi ne, %convert_element_type3A_187, %cond3A_188 : i32
          scf.if %cond3A_189 {
            %dma_wait3A_224 = arith.constant 1 : i32
            %dma_wait3A_225 = arith.constant 0 : i32
            %dma_wait3A_226 = arith.constant 0 : i32
            %dma_wait3A_227 = tpu.memref_slice %arg6[%dma_wait3A_224, %dma_wait3A_225, %dma_wait3A_226] : memref<3x256x128xf32, #tpu.memory_space<vmem>> -> memref<1x256x128xf32, #tpu.memory_space<vmem>>
            %dma_wait3A_228 = tpu.memref_squeeze %dma_wait3A_227 : memref<1x256x128xf32, #tpu.memory_space<vmem>> -> memref<256x128xf32, #tpu.memory_space<vmem>>
            %dma_wait3A_229 = arith.constant 0 : i32
            %dma_wait3A_230 = tpu.memref_slice %arg4[%mul3A_2, %dma_wait3A_229] : memref<819200x128xf32, #tpu.memory_space<hbm>> -> memref<256x128xf32, #tpu.memory_space<hbm>>
            %dma_wait3A_231 = arith.constant 0 : i32
            %dma_wait3A_232 = tpu.memref_slice %arg4[%mul3A_2, %dma_wait3A_231] : memref<819200x128xf32, #tpu.memory_space<hbm>> -> memref<256x128xf32, #tpu.memory_space<hbm>>
            %dma_wait3A_233 = arith.constant 0 : i32
            %dma_wait3A_234 = arith.constant 0 : i32
            %dma_wait3A_235 = tpu.memref_slice %arg6[%dma_wait3A_224, %dma_wait3A_233, %dma_wait3A_234] : memref<3x256x128xf32, #tpu.memory_space<vmem>> -> memref<1x256x128xf32, #tpu.memory_space<vmem>>
            %dma_wait3A_236 = tpu.memref_squeeze %dma_wait3A_235 : memref<1x256x128xf32, #tpu.memory_space<vmem>> -> memref<256x128xf32, #tpu.memory_space<vmem>>
            tpu.wait_dma2 semaphore(%arg11 : memref<!tpu.dma_semaphore, #tpu.memory_space<semaphore_mem>>) src(%dma_wait3A_236 : memref<256x128xf32, #tpu.memory_space<vmem>>) dst(%dma_wait3A_232 : memref<256x128xf32, #tpu.memory_space<hbm>>)
          } else {
          }
          %add3A_190 = arith.constant 2 : i32
          %add3A_191 = arith.addi %while3A_116, %add3A_190 : i32
          %mul3A_192 = arith.constant 2 : i32
          %mul3A_193 = arith.muli %add3A_191, %mul3A_192 : i32
          %dma_start3A_194 = arith.constant 1 : i32
          %dma_start3A_195 = arith.constant 0 : i32
          %dma_start3A_196 = arith.constant 0 : i32
          %dma_start3A_197 = tpu.memref_slice %arg6[%dma_start3A_194, %dma_start3A_195, %dma_start3A_196] : memref<3x256x128xf32, #tpu.memory_space<vmem>> -> memref<1x256x128xf32, #tpu.memory_space<vmem>>
          %dma_start3A_198 = tpu.memref_squeeze %dma_start3A_197 : memref<1x256x128xf32, #tpu.memory_space<vmem>> -> memref<256x128xf32, #tpu.memory_space<vmem>>
          %dma_start3A_199 = arith.constant 0 : i32
          %dma_start3A_200 = arith.constant 0 : i32
          %dma_start3A_201 = tpu.memref_slice %dma_start3A_198[%dma_start3A_199, %dma_start3A_200] : memref<256x128xf32, #tpu.memory_space<vmem>> -> memref<128x128xf32, #tpu.memory_space<vmem>>
          %dma_start3A_202 = arith.constant 0 : i32
          %dma_start3A_203 = tpu.memref_slice %arg5[%mul3A_193, %dma_start3A_202] : memref<200x128xi32, #tpu.memory_space<vmem>> -> memref<1x128xi32, #tpu.memory_space<vmem>>
          %dma_start3A_204 = tpu.memref_squeeze %dma_start3A_203 : memref<1x128xi32, #tpu.memory_space<vmem>> -> memref<128xi32, #tpu.memory_space<vmem>>
          %dma_start3A_205 = arith.constant 0 : i32
          %dma_start3A_206 = arith.constant 0 : i32
          %dma_start3A_207 = tpu.memref_slice %arg3[%dma_start3A_205, %dma_start3A_206] : memref<1000000x128xf32, #tpu.memory_space<hbm>> -> memref<1000000x128xf32, #tpu.memory_space<hbm>>
          tpu.enqueue_indirect_dma source(%dma_start3A_207 : memref<1000000x128xf32, #tpu.memory_space<hbm>>) target(%dma_start3A_201 : memref<128x128xf32, #tpu.memory_space<vmem>>) offsets(%dma_start3A_204 : memref<128xi32, #tpu.memory_space<vmem>>) semaphore(%arg8 : memref<!tpu.dma_semaphore, #tpu.memory_space<semaphore_mem>>)
          %add3A_208 = arith.constant 1 : i32
          %add3A_209 = arith.addi %mul3A_193, %add3A_208 : i32
          %dma_start3A_210 = arith.constant 1 : i32
          %dma_start3A_211 = arith.constant 0 : i32
          %dma_start3A_212 = arith.constant 0 : i32
          %dma_start3A_213 = tpu.memref_slice %arg6[%dma_start3A_210, %dma_start3A_211, %dma_start3A_212] : memref<3x256x128xf32, #tpu.memory_space<vmem>> -> memref<1x256x128xf32, #tpu.memory_space<vmem>>
          %dma_start3A_214 = tpu.memref_squeeze %dma_start3A_213 : memref<1x256x128xf32, #tpu.memory_space<vmem>> -> memref<256x128xf32, #tpu.memory_space<vmem>>
          %dma_start3A_215 = arith.constant 128 : i32
          %dma_start3A_216 = arith.constant 0 : i32
          %dma_start3A_217 = tpu.memref_slice %dma_start3A_214[%dma_start3A_215, %dma_start3A_216] : memref<256x128xf32, #tpu.memory_space<vmem>> -> memref<128x128xf32, #tpu.memory_space<vmem>>
          %dma_start3A_218 = arith.constant 0 : i32
          %dma_start3A_219 = tpu.memref_slice %arg5[%add3A_209, %dma_start3A_218] : memref<200x128xi32, #tpu.memory_space<vmem>> -> memref<1x128xi32, #tpu.memory_space<vmem>>
          %dma_start3A_220 = tpu.memref_squeeze %dma_start3A_219 : memref<1x128xi32, #tpu.memory_space<vmem>> -> memref<128xi32, #tpu.memory_space<vmem>>
          %dma_start3A_221 = arith.constant 0 : i32
          %dma_start3A_222 = arith.constant 0 : i32
          %dma_start3A_223 = tpu.memref_slice %arg3[%dma_start3A_221, %dma_start3A_222] : memref<1000000x128xf32, #tpu.memory_space<hbm>> -> memref<1000000x128xf32, #tpu.memory_space<hbm>>
          tpu.enqueue_indirect_dma source(%dma_start3A_223 : memref<1000000x128xf32, #tpu.memory_space<hbm>>) target(%dma_start3A_217 : memref<128x128xf32, #tpu.memory_space<vmem>>) offsets(%dma_start3A_220 : memref<128xi32, #tpu.memory_space<vmem>>) semaphore(%arg8 : memref<!tpu.dma_semaphore, #tpu.memory_space<semaphore_mem>>)
        } else {
        }
        %dma_wait3A_140 = arith.constant 0 : i32
        %dma_wait3A_141 = arith.constant 2 : i32
        %dma_wait3A_142 = arith.constant 0 : i32
        %dma_wait3A_143 = arith.constant 0 : i32
        %dma_wait3A_144 = tpu.memref_slice %arg6[%dma_wait3A_141, %dma_wait3A_142, %dma_wait3A_143] : memref<3x256x128xf32, #tpu.memory_space<vmem>> -> memref<1x256x128xf32, #tpu.memory_space<vmem>>
        %dma_wait3A_145 = tpu.memref_squeeze %dma_wait3A_144 : memref<1x256x128xf32, #tpu.memory_space<vmem>> -> memref<256x128xf32, #tpu.memory_space<vmem>>
        %dma_wait3A_146 = arith.constant 0 : i32
        %dma_wait3A_147 = arith.constant 0 : i32
        %dma_wait3A_148 = tpu.memref_slice %dma_wait3A_145[%dma_wait3A_146, %dma_wait3A_147] : memref<256x128xf32, #tpu.memory_space<vmem>> -> memref<128x128xf32, #tpu.memory_space<vmem>>
        %dma_wait3A_149 = arith.constant 0 : i32
        %dma_wait3A_150 = tpu.memref_slice %arg5[%dma_wait3A_140, %dma_wait3A_149] : memref<200x128xi32, #tpu.memory_space<vmem>> -> memref<1x128xi32, #tpu.memory_space<vmem>>
        %dma_wait3A_151 = tpu.memref_squeeze %dma_wait3A_150 : memref<1x128xi32, #tpu.memory_space<vmem>> -> memref<128xi32, #tpu.memory_space<vmem>>
        %dma_wait3A_152 = arith.constant 0 : i32
        %dma_wait3A_153 = arith.constant 0 : i32
        %dma_wait3A_154 = tpu.memref_slice %arg3[%dma_wait3A_152, %dma_wait3A_153] : memref<1000000x128xf32, #tpu.memory_space<hbm>> -> memref<1000000x128xf32, #tpu.memory_space<hbm>>
        tpu.wait_indirect_dma semaphore(%arg9 : memref<!tpu.dma_semaphore, #tpu.memory_space<semaphore_mem>>) src(%dma_wait3A_154 : memref<1000000x128xf32, #tpu.memory_space<hbm>>) dst(%dma_wait3A_148 : memref<128x128xf32, #tpu.memory_space<vmem>>)
        %dma_wait3A_155 = arith.constant 0 : i32
        %dma_wait3A_156 = arith.constant 2 : i32
        %dma_wait3A_157 = arith.constant 0 : i32
        %dma_wait3A_158 = arith.constant 0 : i32
        %dma_wait3A_159 = tpu.memref_slice %arg6[%dma_wait3A_156, %dma_wait3A_157, %dma_wait3A_158] : memref<3x256x128xf32, #tpu.memory_space<vmem>> -> memref<1x256x128xf32, #tpu.memory_space<vmem>>
        %dma_wait3A_160 = tpu.memref_squeeze %dma_wait3A_159 : memref<1x256x128xf32, #tpu.memory_space<vmem>> -> memref<256x128xf32, #tpu.memory_space<vmem>>
        %dma_wait3A_161 = arith.constant 128 : i32
        %dma_wait3A_162 = arith.constant 0 : i32
        %dma_wait3A_163 = tpu.memref_slice %dma_wait3A_160[%dma_wait3A_161, %dma_wait3A_162] : memref<256x128xf32, #tpu.memory_space<vmem>> -> memref<128x128xf32, #tpu.memory_space<vmem>>
        %dma_wait3A_164 = arith.constant 0 : i32
        %dma_wait3A_165 = tpu.memref_slice %arg5[%dma_wait3A_155, %dma_wait3A_164] : memref<200x128xi32, #tpu.memory_space<vmem>> -> memref<1x128xi32, #tpu.memory_space<vmem>>
        %dma_wait3A_166 = tpu.memref_squeeze %dma_wait3A_165 : memref<1x128xi32, #tpu.memory_space<vmem>> -> memref<128xi32, #tpu.memory_space<vmem>>
        %dma_wait3A_167 = arith.constant 0 : i32
        %dma_wait3A_168 = arith.constant 0 : i32
        %dma_wait3A_169 = tpu.memref_slice %arg3[%dma_wait3A_167, %dma_wait3A_168] : memref<1000000x128xf32, #tpu.memory_space<hbm>> -> memref<1000000x128xf32, #tpu.memory_space<hbm>>
        tpu.wait_indirect_dma semaphore(%arg9 : memref<!tpu.dma_semaphore, #tpu.memory_space<semaphore_mem>>) src(%dma_wait3A_169 : memref<1000000x128xf32, #tpu.memory_space<hbm>>) dst(%dma_wait3A_163 : memref<128x128xf32, #tpu.memory_space<vmem>>)
        %mul3A_170 = arith.constant 256 : i32
        %mul3A_171 = arith.muli %while3A_116, %mul3A_170 : i32
        %add3A_172 = arith.addi %mul3A_2, %mul3A_171 : i32
        %dma_start3A_173 = arith.constant 2 : i32
        %dma_start3A_174 = arith.constant 0 : i32
        %dma_start3A_175 = arith.constant 0 : i32
        %dma_start3A_176 = tpu.memref_slice %arg6[%dma_start3A_173, %dma_start3A_174, %dma_start3A_175] : memref<3x256x128xf32, #tpu.memory_space<vmem>> -> memref<1x256x128xf32, #tpu.memory_space<vmem>>
        %dma_start3A_177 = tpu.memref_squeeze %dma_start3A_176 : memref<1x256x128xf32, #tpu.memory_space<vmem>> -> memref<256x128xf32, #tpu.memory_space<vmem>>
        %dma_start3A_178 = arith.constant 0 : i32
        %dma_start3A_179 = tpu.memref_slice %arg4[%add3A_172, %dma_start3A_178] : memref<819200x128xf32, #tpu.memory_space<hbm>> -> memref<256x128xf32, #tpu.memory_space<hbm>>
        %dma_start3A_180 = arith.constant 0 : i32
        %dma_start3A_181 = tpu.memref_slice %arg4[%add3A_172, %dma_start3A_180] : memref<819200x128xf32, #tpu.memory_space<hbm>> -> memref<256x128xf32, #tpu.memory_space<hbm>>
        %dma_start3A_182 = arith.constant 0 : i32
        %dma_start3A_183 = arith.constant 0 : i32
        %dma_start3A_184 = tpu.memref_slice %arg6[%dma_start3A_173, %dma_start3A_182, %dma_start3A_183] : memref<3x256x128xf32, #tpu.memory_space<vmem>> -> memref<1x256x128xf32, #tpu.memory_space<vmem>>
        %dma_start3A_185 = tpu.memref_squeeze %dma_start3A_184 : memref<1x256x128xf32, #tpu.memory_space<vmem>> -> memref<256x128xf32, #tpu.memory_space<vmem>>
        tpu.enqueue_dma source(%dma_start3A_185 : memref<256x128xf32, #tpu.memory_space<vmem>>) target(%dma_start3A_181 : memref<256x128xf32, #tpu.memory_space<hbm>>) target_semaphore(%arg12 : memref<!tpu.dma_semaphore, #tpu.memory_space<semaphore_mem>>)
      } else {
      }
    }
    %while3A_77 = arith.constant 1 : i32
    scf.for %while3A_116 = %while3A_75 to %while3A_71 step %while3A_77  : i32 {
      %rem3A = arith.constant 3 : i32
      %rem3A_117 = arith.remsi %while3A_116, %rem3A : i32
      %eq3A = arith.constant 0 : i32
      %eq3A_118 = arith.cmpi eq, %rem3A_117, %eq3A : i32
      %convert_element_type3A = arith.extui %eq3A_118 : i1 to i32
      %cond3A = arith.constant 0 : i32
      %cond3A_119 = arith.cmpi ne, %convert_element_type3A, %cond3A : i32
      scf.if %cond3A_119 {
        %add3A_134 = arith.constant 2 : i32
        %add3A_135 = arith.addi %while3A_116, %add3A_134 : i32
        %lt3A = arith.constant 100 : i32
        %lt3A_136 = arith.cmpi slt, %add3A_135, %lt3A : i32
        %convert_element_type3A_137 = arith.extui %lt3A_136 : i1 to i32
        %cond3A_138 = arith.constant 0 : i32
        %cond3A_139 = arith.cmpi ne, %convert_element_type3A_137, %cond3A_138 : i32
        scf.if %cond3A_139 {
          %ge3A = arith.constant 1 : i32
          %ge3A_186 = arith.cmpi sge, %while3A_116, %ge3A : i32
          %convert_element_type3A_187 = arith.extui %ge3A_186 : i1 to i32
          %cond3A_188 = arith.constant 0 : i32
          %cond3A_189 = arith.cmpi ne, %convert_element_type3A_187, %cond3A_188 : i32
          scf.if %cond3A_189 {
            %dma_wait3A_224 = arith.constant 2 : i32
            %dma_wait3A_225 = arith.constant 0 : i32
            %dma_wait3A_226 = arith.constant 0 : i32
            %dma_wait3A_227 = tpu.memref_slice %arg6[%dma_wait3A_224, %dma_wait3A_225, %dma_wait3A_226] : memref<3x256x128xf32, #tpu.memory_space<vmem>> -> memref<1x256x128xf32, #tpu.memory_space<vmem>>
            %dma_wait3A_228 = tpu.memref_squeeze %dma_wait3A_227 : memref<1x256x128xf32, #tpu.memory_space<vmem>> -> memref<256x128xf32, #tpu.memory_space<vmem>>
            %dma_wait3A_229 = arith.constant 0 : i32
            %dma_wait3A_230 = tpu.memref_slice %arg4[%mul3A_2, %dma_wait3A_229] : memref<819200x128xf32, #tpu.memory_space<hbm>> -> memref<256x128xf32, #tpu.memory_space<hbm>>
            %dma_wait3A_231 = arith.constant 0 : i32
            %dma_wait3A_232 = tpu.memref_slice %arg4[%mul3A_2, %dma_wait3A_231] : memref<819200x128xf32, #tpu.memory_space<hbm>> -> memref<256x128xf32, #tpu.memory_space<hbm>>
            %dma_wait3A_233 = arith.constant 0 : i32
            %dma_wait3A_234 = arith.constant 0 : i32
            %dma_wait3A_235 = tpu.memref_slice %arg6[%dma_wait3A_224, %dma_wait3A_233, %dma_wait3A_234] : memref<3x256x128xf32, #tpu.memory_space<vmem>> -> memref<1x256x128xf32, #tpu.memory_space<vmem>>
            %dma_wait3A_236 = tpu.memref_squeeze %dma_wait3A_235 : memref<1x256x128xf32, #tpu.memory_space<vmem>> -> memref<256x128xf32, #tpu.memory_space<vmem>>
            tpu.wait_dma2 semaphore(%arg12 : memref<!tpu.dma_semaphore, #tpu.memory_space<semaphore_mem>>) src(%dma_wait3A_236 : memref<256x128xf32, #tpu.memory_space<vmem>>) dst(%dma_wait3A_232 : memref<256x128xf32, #tpu.memory_space<hbm>>)
          } else {
          }
          %add3A_190 = arith.constant 2 : i32
          %add3A_191 = arith.addi %while3A_116, %add3A_190 : i32
          %mul3A_192 = arith.constant 2 : i32
          %mul3A_193 = arith.muli %add3A_191, %mul3A_192 : i32
          %dma_start3A_194 = arith.constant 2 : i32
          %dma_start3A_195 = arith.constant 0 : i32
          %dma_start3A_196 = arith.constant 0 : i32
          %dma_start3A_197 = tpu.memref_slice %arg6[%dma_start3A_194, %dma_start3A_195, %dma_start3A_196] : memref<3x256x128xf32, #tpu.memory_space<vmem>> -> memref<1x256x128xf32, #tpu.memory_space<vmem>>
          %dma_start3A_198 = tpu.memref_squeeze %dma_start3A_197 : memref<1x256x128xf32, #tpu.memory_space<vmem>> -> memref<256x128xf32, #tpu.memory_space<vmem>>
          %dma_start3A_199 = arith.constant 0 : i32
          %dma_start3A_200 = arith.constant 0 : i32
          %dma_start3A_201 = tpu.memref_slice %dma_start3A_198[%dma_start3A_199, %dma_start3A_200] : memref<256x128xf32, #tpu.memory_space<vmem>> -> memref<128x128xf32, #tpu.memory_space<vmem>>
          %dma_start3A_202 = arith.constant 0 : i32
          %dma_start3A_203 = tpu.memref_slice %arg5[%mul3A_193, %dma_start3A_202] : memref<200x128xi32, #tpu.memory_space<vmem>> -> memref<1x128xi32, #tpu.memory_space<vmem>>
          %dma_start3A_204 = tpu.memref_squeeze %dma_start3A_203 : memref<1x128xi32, #tpu.memory_space<vmem>> -> memref<128xi32, #tpu.memory_space<vmem>>
          %dma_start3A_205 = arith.constant 0 : i32
          %dma_start3A_206 = arith.constant 0 : i32
          %dma_start3A_207 = tpu.memref_slice %arg3[%dma_start3A_205, %dma_start3A_206] : memref<1000000x128xf32, #tpu.memory_space<hbm>> -> memref<1000000x128xf32, #tpu.memory_space<hbm>>
          tpu.enqueue_indirect_dma source(%dma_start3A_207 : memref<1000000x128xf32, #tpu.memory_space<hbm>>) target(%dma_start3A_201 : memref<128x128xf32, #tpu.memory_space<vmem>>) offsets(%dma_start3A_204 : memref<128xi32, #tpu.memory_space<vmem>>) semaphore(%arg9 : memref<!tpu.dma_semaphore, #tpu.memory_space<semaphore_mem>>)
          %add3A_208 = arith.constant 1 : i32
          %add3A_209 = arith.addi %mul3A_193, %add3A_208 : i32
          %dma_start3A_210 = arith.constant 2 : i32
          %dma_start3A_211 = arith.constant 0 : i32
          %dma_start3A_212 = arith.constant 0 : i32
          %dma_start3A_213 = tpu.memref_slice %arg6[%dma_start3A_210, %dma_start3A_211, %dma_start3A_212] : memref<3x256x128xf32, #tpu.memory_space<vmem>> -> memref<1x256x128xf32, #tpu.memory_space<vmem>>
          %dma_start3A_214 = tpu.memref_squeeze %dma_start3A_213 : memref<1x256x128xf32, #tpu.memory_space<vmem>> -> memref<256x128xf32, #tpu.memory_space<vmem>>
          %dma_start3A_215 = arith.constant 128 : i32
          %dma_start3A_216 = arith.constant 0 : i32
          %dma_start3A_217 = tpu.memref_slice %dma_start3A_214[%dma_start3A_215, %dma_start3A_216] : memref<256x128xf32, #tpu.memory_space<vmem>> -> memref<128x128xf32, #tpu.memory_space<vmem>>
          %dma_start3A_218 = arith.constant 0 : i32
          %dma_start3A_219 = tpu.memref_slice %arg5[%add3A_209, %dma_start3A_218] : memref<200x128xi32, #tpu.memory_space<vmem>> -> memref<1x128xi32, #tpu.memory_space<vmem>>
          %dma_start3A_220 = tpu.memref_squeeze %dma_start3A_219 : memref<1x128xi32, #tpu.memory_space<vmem>> -> memref<128xi32, #tpu.memory_space<vmem>>
          %dma_start3A_221 = arith.constant 0 : i32
          %dma_start3A_222 = arith.constant 0 : i32
          %dma_start3A_223 = tpu.memref_slice %arg3[%dma_start3A_221, %dma_start3A_222] : memref<1000000x128xf32, #tpu.memory_space<hbm>> -> memref<1000000x128xf32, #tpu.memory_space<hbm>>
          tpu.enqueue_indirect_dma source(%dma_start3A_223 : memref<1000000x128xf32, #tpu.memory_space<hbm>>) target(%dma_start3A_217 : memref<128x128xf32, #tpu.memory_space<vmem>>) offsets(%dma_start3A_220 : memref<128xi32, #tpu.memory_space<vmem>>) semaphore(%arg9 : memref<!tpu.dma_semaphore, #tpu.memory_space<semaphore_mem>>)
        } else {
        }
        %dma_wait3A_140 = arith.constant 0 : i32
        %dma_wait3A_141 = arith.constant 0 : i32
        %dma_wait3A_142 = arith.constant 0 : i32
        %dma_wait3A_143 = arith.constant 0 : i32
        %dma_wait3A_144 = tpu.memref_slice %arg6[%dma_wait3A_141, %dma_wait3A_142, %dma_wait3A_143] : memref<3x256x128xf32, #tpu.memory_space<vmem>> -> memref<1x256x128xf32, #tpu.memory_space<vmem>>
        %dma_wait3A_145 = tpu.memref_squeeze %dma_wait3A_144 : memref<1x256x128xf32, #tpu.memory_space<vmem>> -> memref<256x128xf32, #tpu.memory_space<vmem>>
        %dma_wait3A_146 = arith.constant 0 : i32
        %dma_wait3A_147 = arith.constant 0 : i32
        %dma_wait3A_148 = tpu.memref_slice %dma_wait3A_145[%dma_wait3A_146, %dma_wait3A_147] : memref<256x128xf32, #tpu.memory_space<vmem>> -> memref<128x128xf32, #tpu.memory_space<vmem>>
        %dma_wait3A_149 = arith.constant 0 : i32
        %dma_wait3A_150 = tpu.memref_slice %arg5[%dma_wait3A_140, %dma_wait3A_149] : memref<200x128xi32, #tpu.memory_space<vmem>> -> memref<1x128xi32, #tpu.memory_space<vmem>>
        %dma_wait3A_151 = tpu.memref_squeeze %dma_wait3A_150 : memref<1x128xi32, #tpu.memory_space<vmem>> -> memref<128xi32, #tpu.memory_space<vmem>>
        %dma_wait3A_152 = arith.constant 0 : i32
        %dma_wait3A_153 = arith.constant 0 : i32
        %dma_wait3A_154 = tpu.memref_slice %arg3[%dma_wait3A_152, %dma_wait3A_153] : memref<1000000x128xf32, #tpu.memory_space<hbm>> -> memref<1000000x128xf32, #tpu.memory_space<hbm>>
        tpu.wait_indirect_dma semaphore(%arg7 : memref<!tpu.dma_semaphore, #tpu.memory_space<semaphore_mem>>) src(%dma_wait3A_154 : memref<1000000x128xf32, #tpu.memory_space<hbm>>) dst(%dma_wait3A_148 : memref<128x128xf32, #tpu.memory_space<vmem>>)
        %dma_wait3A_155 = arith.constant 0 : i32
        %dma_wait3A_156 = arith.constant 0 : i32
        %dma_wait3A_157 = arith.constant 0 : i32
        %dma_wait3A_158 = arith.constant 0 : i32
        %dma_wait3A_159 = tpu.memref_slice %arg6[%dma_wait3A_156, %dma_wait3A_157, %dma_wait3A_158] : memref<3x256x128xf32, #tpu.memory_space<vmem>> -> memref<1x256x128xf32, #tpu.memory_space<vmem>>
        %dma_wait3A_160 = tpu.memref_squeeze %dma_wait3A_159 : memref<1x256x128xf32, #tpu.memory_space<vmem>> -> memref<256x128xf32, #tpu.memory_space<vmem>>
        %dma_wait3A_161 = arith.constant 128 : i32
        %dma_wait3A_162 = arith.constant 0 : i32
        %dma_wait3A_163 = tpu.memref_slice %dma_wait3A_160[%dma_wait3A_161, %dma_wait3A_162] : memref<256x128xf32, #tpu.memory_space<vmem>> -> memref<128x128xf32, #tpu.memory_space<vmem>>
        %dma_wait3A_164 = arith.constant 0 : i32
        %dma_wait3A_165 = tpu.memref_slice %arg5[%dma_wait3A_155, %dma_wait3A_164] : memref<200x128xi32, #tpu.memory_space<vmem>> -> memref<1x128xi32, #tpu.memory_space<vmem>>
        %dma_wait3A_166 = tpu.memref_squeeze %dma_wait3A_165 : memref<1x128xi32, #tpu.memory_space<vmem>> -> memref<128xi32, #tpu.memory_space<vmem>>
        %dma_wait3A_167 = arith.constant 0 : i32
        %dma_wait3A_168 = arith.constant 0 : i32
        %dma_wait3A_169 = tpu.memref_slice %arg3[%dma_wait3A_167, %dma_wait3A_168] : memref<1000000x128xf32, #tpu.memory_space<hbm>> -> memref<1000000x128xf32, #tpu.memory_space<hbm>>
        tpu.wait_indirect_dma semaphore(%arg7 : memref<!tpu.dma_semaphore, #tpu.memory_space<semaphore_mem>>) src(%dma_wait3A_169 : memref<1000000x128xf32, #tpu.memory_space<hbm>>) dst(%dma_wait3A_163 : memref<128x128xf32, #tpu.memory_space<vmem>>)
        %mul3A_170 = arith.constant 256 : i32
        %mul3A_171 = arith.muli %while3A_116, %mul3A_170 : i32
        %add3A_172 = arith.addi %mul3A_2, %mul3A_171 : i32
        %dma_start3A_173 = arith.constant 0 : i32
        %dma_start3A_174 = arith.constant 0 : i32
        %dma_start3A_175 = arith.constant 0 : i32
        %dma_start3A_176 = tpu.memref_slice %arg6[%dma_start3A_173, %dma_start3A_174, %dma_start3A_175] : memref<3x256x128xf32, #tpu.memory_space<vmem>> -> memref<1x256x128xf32, #tpu.memory_space<vmem>>
        %dma_start3A_177 = tpu.memref_squeeze %dma_start3A_176 : memref<1x256x128xf32, #tpu.memory_space<vmem>> -> memref<256x128xf32, #tpu.memory_space<vmem>>
        %dma_start3A_178 = arith.constant 0 : i32
        %dma_start3A_179 = tpu.memref_slice %arg4[%add3A_172, %dma_start3A_178] : memref<819200x128xf32, #tpu.memory_space<hbm>> -> memref<256x128xf32, #tpu.memory_space<hbm>>
        %dma_start3A_180 = arith.constant 0 : i32
        %dma_start3A_181 = tpu.memref_slice %arg4[%add3A_172, %dma_start3A_180] : memref<819200x128xf32, #tpu.memory_space<hbm>> -> memref<256x128xf32, #tpu.memory_space<hbm>>
        %dma_start3A_182 = arith.constant 0 : i32
        %dma_start3A_183 = arith.constant 0 : i32
        %dma_start3A_184 = tpu.memref_slice %arg6[%dma_start3A_173, %dma_start3A_182, %dma_start3A_183] : memref<3x256x128xf32, #tpu.memory_space<vmem>> -> memref<1x256x128xf32, #tpu.memory_space<vmem>>
        %dma_start3A_185 = tpu.memref_squeeze %dma_start3A_184 : memref<1x256x128xf32, #tpu.memory_space<vmem>> -> memref<256x128xf32, #tpu.memory_space<vmem>>
        tpu.enqueue_dma source(%dma_start3A_185 : memref<256x128xf32, #tpu.memory_space<vmem>>) target(%dma_start3A_181 : memref<256x128xf32, #tpu.memory_space<hbm>>) target_semaphore(%arg10 : memref<!tpu.dma_semaphore, #tpu.memory_space<semaphore_mem>>)
      } else {
      }
      %rem3A_120 = arith.constant 3 : i32
      %rem3A_121 = arith.remsi %while3A_116, %rem3A_120 : i32
      %eq3A_122 = arith.constant 1 : i32
      %eq3A_123 = arith.cmpi eq, %rem3A_121, %eq3A_122 : i32
      %convert_element_type3A_124 = arith.extui %eq3A_123 : i1 to i32
      %cond3A_125 = arith.constant 0 : i32
      %cond3A_126 = arith.cmpi ne, %convert_element_type3A_124, %cond3A_125 : i32
      scf.if %cond3A_126 {
        %add3A_134 = arith.constant 2 : i32
        %add3A_135 = arith.addi %while3A_116, %add3A_134 : i32
        %lt3A = arith.constant 100 : i32
        %lt3A_136 = arith.cmpi slt, %add3A_135, %lt3A : i32
        %convert_element_type3A_137 = arith.extui %lt3A_136 : i1 to i32
        %cond3A_138 = arith.constant 0 : i32
        %cond3A_139 = arith.cmpi ne, %convert_element_type3A_137, %cond3A_138 : i32
        scf.if %cond3A_139 {
          %ge3A = arith.constant 1 : i32
          %ge3A_186 = arith.cmpi sge, %while3A_116, %ge3A : i32
          %convert_element_type3A_187 = arith.extui %ge3A_186 : i1 to i32
          %cond3A_188 = arith.constant 0 : i32
          %cond3A_189 = arith.cmpi ne, %convert_element_type3A_187, %cond3A_188 : i32
          scf.if %cond3A_189 {
            %dma_wait3A_224 = arith.constant 0 : i32
            %dma_wait3A_225 = arith.constant 0 : i32
            %dma_wait3A_226 = arith.constant 0 : i32
            %dma_wait3A_227 = tpu.memref_slice %arg6[%dma_wait3A_224, %dma_wait3A_225, %dma_wait3A_226] : memref<3x256x128xf32, #tpu.memory_space<vmem>> -> memref<1x256x128xf32, #tpu.memory_space<vmem>>
            %dma_wait3A_228 = tpu.memref_squeeze %dma_wait3A_227 : memref<1x256x128xf32, #tpu.memory_space<vmem>> -> memref<256x128xf32, #tpu.memory_space<vmem>>
            %dma_wait3A_229 = arith.constant 0 : i32
            %dma_wait3A_230 = tpu.memref_slice %arg4[%mul3A_2, %dma_wait3A_229] : memref<819200x128xf32, #tpu.memory_space<hbm>> -> memref<256x128xf32, #tpu.memory_space<hbm>>
            %dma_wait3A_231 = arith.constant 0 : i32
            %dma_wait3A_232 = tpu.memref_slice %arg4[%mul3A_2, %dma_wait3A_231] : memref<819200x128xf32, #tpu.memory_space<hbm>> -> memref<256x128xf32, #tpu.memory_space<hbm>>
            %dma_wait3A_233 = arith.constant 0 : i32
            %dma_wait3A_234 = arith.constant 0 : i32
            %dma_wait3A_235 = tpu.memref_slice %arg6[%dma_wait3A_224, %dma_wait3A_233, %dma_wait3A_234] : memref<3x256x128xf32, #tpu.memory_space<vmem>> -> memref<1x256x128xf32, #tpu.memory_space<vmem>>
            %dma_wait3A_236 = tpu.memref_squeeze %dma_wait3A_235 : memref<1x256x128xf32, #tpu.memory_space<vmem>> -> memref<256x128xf32, #tpu.memory_space<vmem>>
            tpu.wait_dma2 semaphore(%arg10 : memref<!tpu.dma_semaphore, #tpu.memory_space<semaphore_mem>>) src(%dma_wait3A_236 : memref<256x128xf32, #tpu.memory_space<vmem>>) dst(%dma_wait3A_232 : memref<256x128xf32, #tpu.memory_space<hbm>>)
          } else {
          }
          %add3A_190 = arith.constant 2 : i32
          %add3A_191 = arith.addi %while3A_116, %add3A_190 : i32
          %mul3A_192 = arith.constant 2 : i32
          %mul3A_193 = arith.muli %add3A_191, %mul3A_192 : i32
          %dma_start3A_194 = arith.constant 0 : i32
          %dma_start3A_195 = arith.constant 0 : i32
          %dma_start3A_196 = arith.constant 0 : i32
          %dma_start3A_197 = tpu.memref_slice %arg6[%dma_start3A_194, %dma_start3A_195, %dma_start3A_196] : memref<3x256x128xf32, #tpu.memory_space<vmem>> -> memref<1x256x128xf32, #tpu.memory_space<vmem>>
          %dma_start3A_198 = tpu.memref_squeeze %dma_start3A_197 : memref<1x256x128xf32, #tpu.memory_space<vmem>> -> memref<256x128xf32, #tpu.memory_space<vmem>>
          %dma_start3A_199 = arith.constant 0 : i32
          %dma_start3A_200 = arith.constant 0 : i32
          %dma_start3A_201 = tpu.memref_slice %dma_start3A_198[%dma_start3A_199, %dma_start3A_200] : memref<256x128xf32, #tpu.memory_space<vmem>> -> memref<128x128xf32, #tpu.memory_space<vmem>>
          %dma_start3A_202 = arith.constant 0 : i32
          %dma_start3A_203 = tpu.memref_slice %arg5[%mul3A_193, %dma_start3A_202] : memref<200x128xi32, #tpu.memory_space<vmem>> -> memref<1x128xi32, #tpu.memory_space<vmem>>
          %dma_start3A_204 = tpu.memref_squeeze %dma_start3A_203 : memref<1x128xi32, #tpu.memory_space<vmem>> -> memref<128xi32, #tpu.memory_space<vmem>>
          %dma_start3A_205 = arith.constant 0 : i32
          %dma_start3A_206 = arith.constant 0 : i32
          %dma_start3A_207 = tpu.memref_slice %arg3[%dma_start3A_205, %dma_start3A_206] : memref<1000000x128xf32, #tpu.memory_space<hbm>> -> memref<1000000x128xf32, #tpu.memory_space<hbm>>
          tpu.enqueue_indirect_dma source(%dma_start3A_207 : memref<1000000x128xf32, #tpu.memory_space<hbm>>) target(%dma_start3A_201 : memref<128x128xf32, #tpu.memory_space<vmem>>) offsets(%dma_start3A_204 : memref<128xi32, #tpu.memory_space<vmem>>) semaphore(%arg7 : memref<!tpu.dma_semaphore, #tpu.memory_space<semaphore_mem>>)
          %add3A_208 = arith.constant 1 : i32
          %add3A_209 = arith.addi %mul3A_193, %add3A_208 : i32
          %dma_start3A_210 = arith.constant 0 : i32
          %dma_start3A_211 = arith.constant 0 : i32
          %dma_start3A_212 = arith.constant 0 : i32
          %dma_start3A_213 = tpu.memref_slice %arg6[%dma_start3A_210, %dma_start3A_211, %dma_start3A_212] : memref<3x256x128xf32, #tpu.memory_space<vmem>> -> memref<1x256x128xf32, #tpu.memory_space<vmem>>
          %dma_start3A_214 = tpu.memref_squeeze %dma_start3A_213 : memref<1x256x128xf32, #tpu.memory_space<vmem>> -> memref<256x128xf32, #tpu.memory_space<vmem>>
          %dma_start3A_215 = arith.constant 128 : i32
          %dma_start3A_216 = arith.constant 0 : i32
          %dma_start3A_217 = tpu.memref_slice %dma_start3A_214[%dma_start3A_215, %dma_start3A_216] : memref<256x128xf32, #tpu.memory_space<vmem>> -> memref<128x128xf32, #tpu.memory_space<vmem>>
          %dma_start3A_218 = arith.constant 0 : i32
          %dma_start3A_219 = tpu.memref_slice %arg5[%add3A_209, %dma_start3A_218] : memref<200x128xi32, #tpu.memory_space<vmem>> -> memref<1x128xi32, #tpu.memory_space<vmem>>
          %dma_start3A_220 = tpu.memref_squeeze %dma_start3A_219 : memref<1x128xi32, #tpu.memory_space<vmem>> -> memref<128xi32, #tpu.memory_space<vmem>>
          %dma_start3A_221 = arith.constant 0 : i32
          %dma_start3A_222 = arith.constant 0 : i32
          %dma_start3A_223 = tpu.memref_slice %arg3[%dma_start3A_221, %dma_start3A_222] : memref<1000000x128xf32, #tpu.memory_space<hbm>> -> memref<1000000x128xf32, #tpu.memory_space<hbm>>
          tpu.enqueue_indirect_dma source(%dma_start3A_223 : memref<1000000x128xf32, #tpu.memory_space<hbm>>) target(%dma_start3A_217 : memref<128x128xf32, #tpu.memory_space<vmem>>) offsets(%dma_start3A_220 : memref<128xi32, #tpu.memory_space<vmem>>) semaphore(%arg7 : memref<!tpu.dma_semaphore, #tpu.memory_space<semaphore_mem>>)
        } else {
        }
        %dma_wait3A_140 = arith.constant 0 : i32
        %dma_wait3A_141 = arith.constant 1 : i32
        %dma_wait3A_142 = arith.constant 0 : i32
        %dma_wait3A_143 = arith.constant 0 : i32
        %dma_wait3A_144 = tpu.memref_slice %arg6[%dma_wait3A_141, %dma_wait3A_142, %dma_wait3A_143] : memref<3x256x128xf32, #tpu.memory_space<vmem>> -> memref<1x256x128xf32, #tpu.memory_space<vmem>>
        %dma_wait3A_145 = tpu.memref_squeeze %dma_wait3A_144 : memref<1x256x128xf32, #tpu.memory_space<vmem>> -> memref<256x128xf32, #tpu.memory_space<vmem>>
        %dma_wait3A_146 = arith.constant 0 : i32
        %dma_wait3A_147 = arith.constant 0 : i32
        %dma_wait3A_148 = tpu.memref_slice %dma_wait3A_145[%dma_wait3A_146, %dma_wait3A_147] : memref<256x128xf32, #tpu.memory_space<vmem>> -> memref<128x128xf32, #tpu.memory_space<vmem>>
        %dma_wait3A_149 = arith.constant 0 : i32
        %dma_wait3A_150 = tpu.memref_slice %arg5[%dma_wait3A_140, %dma_wait3A_149] : memref<200x128xi32, #tpu.memory_space<vmem>> -> memref<1x128xi32, #tpu.memory_space<vmem>>
        %dma_wait3A_151 = tpu.memref_squeeze %dma_wait3A_150 : memref<1x128xi32, #tpu.memory_space<vmem>> -> memref<128xi32, #tpu.memory_space<vmem>>
        %dma_wait3A_152 = arith.constant 0 : i32
        %dma_wait3A_153 = arith.constant 0 : i32
        %dma_wait3A_154 = tpu.memref_slice %arg3[%dma_wait3A_152, %dma_wait3A_153] : memref<1000000x128xf32, #tpu.memory_space<hbm>> -> memref<1000000x128xf32, #tpu.memory_space<hbm>>
        tpu.wait_indirect_dma semaphore(%arg8 : memref<!tpu.dma_semaphore, #tpu.memory_space<semaphore_mem>>) src(%dma_wait3A_154 : memref<1000000x128xf32, #tpu.memory_space<hbm>>) dst(%dma_wait3A_148 : memref<128x128xf32, #tpu.memory_space<vmem>>)
        %dma_wait3A_155 = arith.constant 0 : i32
        %dma_wait3A_156 = arith.constant 1 : i32
        %dma_wait3A_157 = arith.constant 0 : i32
        %dma_wait3A_158 = arith.constant 0 : i32
        %dma_wait3A_159 = tpu.memref_slice %arg6[%dma_wait3A_156, %dma_wait3A_157, %dma_wait3A_158] : memref<3x256x128xf32, #tpu.memory_space<vmem>> -> memref<1x256x128xf32, #tpu.memory_space<vmem>>
        %dma_wait3A_160 = tpu.memref_squeeze %dma_wait3A_159 : memref<1x256x128xf32, #tpu.memory_space<vmem>> -> memref<256x128xf32, #tpu.memory_space<vmem>>
        %dma_wait3A_161 = arith.constant 128 : i32
        %dma_wait3A_162 = arith.constant 0 : i32
        %dma_wait3A_163 = tpu.memref_slice %dma_wait3A_160[%dma_wait3A_161, %dma_wait3A_162] : memref<256x128xf32, #tpu.memory_space<vmem>> -> memref<128x128xf32, #tpu.memory_space<vmem>>
        %dma_wait3A_164 = arith.constant 0 : i32
        %dma_wait3A_165 = tpu.memref_slice %arg5[%dma_wait3A_155, %dma_wait3A_164] : memref<200x128xi32, #tpu.memory_space<vmem>> -> memref<1x128xi32, #tpu.memory_space<vmem>>
        %dma_wait3A_166 = tpu.memref_squeeze %dma_wait3A_165 : memref<1x128xi32, #tpu.memory_space<vmem>> -> memref<128xi32, #tpu.memory_space<vmem>>
        %dma_wait3A_167 = arith.constant 0 : i32
        %dma_wait3A_168 = arith.constant 0 : i32
        %dma_wait3A_169 = tpu.memref_slice %arg3[%dma_wait3A_167, %dma_wait3A_168] : memref<1000000x128xf32, #tpu.memory_space<hbm>> -> memref<1000000x128xf32, #tpu.memory_space<hbm>>
        tpu.wait_indirect_dma semaphore(%arg8 : memref<!tpu.dma_semaphore, #tpu.memory_space<semaphore_mem>>) src(%dma_wait3A_169 : memref<1000000x128xf32, #tpu.memory_space<hbm>>) dst(%dma_wait3A_163 : memref<128x128xf32, #tpu.memory_space<vmem>>)
        %mul3A_170 = arith.constant 256 : i32
        %mul3A_171 = arith.muli %while3A_116, %mul3A_170 : i32
        %add3A_172 = arith.addi %mul3A_2, %mul3A_171 : i32
        %dma_start3A_173 = arith.constant 1 : i32
        %dma_start3A_174 = arith.constant 0 : i32
        %dma_start3A_175 = arith.constant 0 : i32
        %dma_start3A_176 = tpu.memref_slice %arg6[%dma_start3A_173, %dma_start3A_174, %dma_start3A_175] : memref<3x256x128xf32, #tpu.memory_space<vmem>> -> memref<1x256x128xf32, #tpu.memory_space<vmem>>
        %dma_start3A_177 = tpu.memref_squeeze %dma_start3A_176 : memref<1x256x128xf32, #tpu.memory_space<vmem>> -> memref<256x128xf32, #tpu.memory_space<vmem>>
        %dma_start3A_178 = arith.constant 0 : i32
        %dma_start3A_179 = tpu.memref_slice %arg4[%add3A_172, %dma_start3A_178] : memref<819200x128xf32, #tpu.memory_space<hbm>> -> memref<256x128xf32, #tpu.memory_space<hbm>>
        %dma_start3A_180 = arith.constant 0 : i32
        %dma_start3A_181 = tpu.memref_slice %arg4[%add3A_172, %dma_start3A_180] : memref<819200x128xf32, #tpu.memory_space<hbm>> -> memref<256x128xf32, #tpu.memory_space<hbm>>
        %dma_start3A_182 = arith.constant 0 : i32
        %dma_start3A_183 = arith.constant 0 : i32
        %dma_start3A_184 = tpu.memref_slice %arg6[%dma_start3A_173, %dma_start3A_182, %dma_start3A_183] : memref<3x256x128xf32, #tpu.memory_space<vmem>> -> memref<1x256x128xf32, #tpu.memory_space<vmem>>
        %dma_start3A_185 = tpu.memref_squeeze %dma_start3A_184 : memref<1x256x128xf32, #tpu.memory_space<vmem>> -> memref<256x128xf32, #tpu.memory_space<vmem>>
        tpu.enqueue_dma source(%dma_start3A_185 : memref<256x128xf32, #tpu.memory_space<vmem>>) target(%dma_start3A_181 : memref<256x128xf32, #tpu.memory_space<hbm>>) target_semaphore(%arg11 : memref<!tpu.dma_semaphore, #tpu.memory_space<semaphore_mem>>)
      } else {
      }
      %rem3A_127 = arith.constant 3 : i32
      %rem3A_128 = arith.remsi %while3A_116, %rem3A_127 : i32
      %eq3A_129 = arith.constant 2 : i32
      %eq3A_130 = arith.cmpi eq, %rem3A_128, %eq3A_129 : i32
      %convert_element_type3A_131 = arith.extui %eq3A_130 : i1 to i32
      %cond3A_132 = arith.constant 0 : i32
      %cond3A_133 = arith.cmpi ne, %convert_element_type3A_131, %cond3A_132 : i32
      scf.if %cond3A_133 {
        %add3A_134 = arith.constant 2 : i32
        %add3A_135 = arith.addi %while3A_116, %add3A_134 : i32
        %lt3A = arith.constant 100 : i32
        %lt3A_136 = arith.cmpi slt, %add3A_135, %lt3A : i32
        %convert_element_type3A_137 = arith.extui %lt3A_136 : i1 to i32
        %cond3A_138 = arith.constant 0 : i32
        %cond3A_139 = arith.cmpi ne, %convert_element_type3A_137, %cond3A_138 : i32
        scf.if %cond3A_139 {
          %ge3A = arith.constant 1 : i32
          %ge3A_186 = arith.cmpi sge, %while3A_116, %ge3A : i32
          %convert_element_type3A_187 = arith.extui %ge3A_186 : i1 to i32
          %cond3A_188 = arith.constant 0 : i32
          %cond3A_189 = arith.cmpi ne, %convert_element_type3A_187, %cond3A_188 : i32
          scf.if %cond3A_189 {
            %dma_wait3A_224 = arith.constant 1 : i32
            %dma_wait3A_225 = arith.constant 0 : i32
            %dma_wait3A_226 = arith.constant 0 : i32
            %dma_wait3A_227 = tpu.memref_slice %arg6[%dma_wait3A_224, %dma_wait3A_225, %dma_wait3A_226] : memref<3x256x128xf32, #tpu.memory_space<vmem>> -> memref<1x256x128xf32, #tpu.memory_space<vmem>>
            %dma_wait3A_228 = tpu.memref_squeeze %dma_wait3A_227 : memref<1x256x128xf32, #tpu.memory_space<vmem>> -> memref<256x128xf32, #tpu.memory_space<vmem>>
            %dma_wait3A_229 = arith.constant 0 : i32
            %dma_wait3A_230 = tpu.memref_slice %arg4[%mul3A_2, %dma_wait3A_229] : memref<819200x128xf32, #tpu.memory_space<hbm>> -> memref<256x128xf32, #tpu.memory_space<hbm>>
            %dma_wait3A_231 = arith.constant 0 : i32
            %dma_wait3A_232 = tpu.memref_slice %arg4[%mul3A_2, %dma_wait3A_231] : memref<819200x128xf32, #tpu.memory_space<hbm>> -> memref<256x128xf32, #tpu.memory_space<hbm>>
            %dma_wait3A_233 = arith.constant 0 : i32
            %dma_wait3A_234 = arith.constant 0 : i32
            %dma_wait3A_235 = tpu.memref_slice %arg6[%dma_wait3A_224, %dma_wait3A_233, %dma_wait3A_234] : memref<3x256x128xf32, #tpu.memory_space<vmem>> -> memref<1x256x128xf32, #tpu.memory_space<vmem>>
            %dma_wait3A_236 = tpu.memref_squeeze %dma_wait3A_235 : memref<1x256x128xf32, #tpu.memory_space<vmem>> -> memref<256x128xf32, #tpu.memory_space<vmem>>
            tpu.wait_dma2 semaphore(%arg11 : memref<!tpu.dma_semaphore, #tpu.memory_space<semaphore_mem>>) src(%dma_wait3A_236 : memref<256x128xf32, #tpu.memory_space<vmem>>) dst(%dma_wait3A_232 : memref<256x128xf32, #tpu.memory_space<hbm>>)
          } else {
          }
          %add3A_190 = arith.constant 2 : i32
          %add3A_191 = arith.addi %while3A_116, %add3A_190 : i32
          %mul3A_192 = arith.constant 2 : i32
          %mul3A_193 = arith.muli %add3A_191, %mul3A_192 : i32
          %dma_start3A_194 = arith.constant 1 : i32
          %dma_start3A_195 = arith.constant 0 : i32
          %dma_start3A_196 = arith.constant 0 : i32
          %dma_start3A_197 = tpu.memref_slice %arg6[%dma_start3A_194, %dma_start3A_195, %dma_start3A_196] : memref<3x256x128xf32, #tpu.memory_space<vmem>> -> memref<1x256x128xf32, #tpu.memory_space<vmem>>
          %dma_start3A_198 = tpu.memref_squeeze %dma_start3A_197 : memref<1x256x128xf32, #tpu.memory_space<vmem>> -> memref<256x128xf32, #tpu.memory_space<vmem>>
          %dma_start3A_199 = arith.constant 0 : i32
          %dma_start3A_200 = arith.constant 0 : i32
          %dma_start3A_201 = tpu.memref_slice %dma_start3A_198[%dma_start3A_199, %dma_start3A_200] : memref<256x128xf32, #tpu.memory_space<vmem>> -> memref<128x128xf32, #tpu.memory_space<vmem>>
          %dma_start3A_202 = arith.constant 0 : i32
          %dma_start3A_203 = tpu.memref_slice %arg5[%mul3A_193, %dma_start3A_202] : memref<200x128xi32, #tpu.memory_space<vmem>> -> memref<1x128xi32, #tpu.memory_space<vmem>>
          %dma_start3A_204 = tpu.memref_squeeze %dma_start3A_203 : memref<1x128xi32, #tpu.memory_space<vmem>> -> memref<128xi32, #tpu.memory_space<vmem>>
          %dma_start3A_205 = arith.constant 0 : i32
          %dma_start3A_206 = arith.constant 0 : i32
          %dma_start3A_207 = tpu.memref_slice %arg3[%dma_start3A_205, %dma_start3A_206] : memref<1000000x128xf32, #tpu.memory_space<hbm>> -> memref<1000000x128xf32, #tpu.memory_space<hbm>>
          tpu.enqueue_indirect_dma source(%dma_start3A_207 : memref<1000000x128xf32, #tpu.memory_space<hbm>>) target(%dma_start3A_201 : memref<128x128xf32, #tpu.memory_space<vmem>>) offsets(%dma_start3A_204 : memref<128xi32, #tpu.memory_space<vmem>>) semaphore(%arg8 : memref<!tpu.dma_semaphore, #tpu.memory_space<semaphore_mem>>)
          %add3A_208 = arith.constant 1 : i32
          %add3A_209 = arith.addi %mul3A_193, %add3A_208 : i32
          %dma_start3A_210 = arith.constant 1 : i32
          %dma_start3A_211 = arith.constant 0 : i32
          %dma_start3A_212 = arith.constant 0 : i32
          %dma_start3A_213 = tpu.memref_slice %arg6[%dma_start3A_210, %dma_start3A_211, %dma_start3A_212] : memref<3x256x128xf32, #tpu.memory_space<vmem>> -> memref<1x256x128xf32, #tpu.memory_space<vmem>>
          %dma_start3A_214 = tpu.memref_squeeze %dma_start3A_213 : memref<1x256x128xf32, #tpu.memory_space<vmem>> -> memref<256x128xf32, #tpu.memory_space<vmem>>
          %dma_start3A_215 = arith.constant 128 : i32
          %dma_start3A_216 = arith.constant 0 : i32
          %dma_start3A_217 = tpu.memref_slice %dma_start3A_214[%dma_start3A_215, %dma_start3A_216] : memref<256x128xf32, #tpu.memory_space<vmem>> -> memref<128x128xf32, #tpu.memory_space<vmem>>
          %dma_start3A_218 = arith.constant 0 : i32
          %dma_start3A_219 = tpu.memref_slice %arg5[%add3A_209, %dma_start3A_218] : memref<200x128xi32, #tpu.memory_space<vmem>> -> memref<1x128xi32, #tpu.memory_space<vmem>>
          %dma_start3A_220 = tpu.memref_squeeze %dma_start3A_219 : memref<1x128xi32, #tpu.memory_space<vmem>> -> memref<128xi32, #tpu.memory_space<vmem>>
          %dma_start3A_221 = arith.constant 0 : i32
          %dma_start3A_222 = arith.constant 0 : i32
          %dma_start3A_223 = tpu.memref_slice %arg3[%dma_start3A_221, %dma_start3A_222] : memref<1000000x128xf32, #tpu.memory_space<hbm>> -> memref<1000000x128xf32, #tpu.memory_space<hbm>>
          tpu.enqueue_indirect_dma source(%dma_start3A_223 : memref<1000000x128xf32, #tpu.memory_space<hbm>>) target(%dma_start3A_217 : memref<128x128xf32, #tpu.memory_space<vmem>>) offsets(%dma_start3A_220 : memref<128xi32, #tpu.memory_space<vmem>>) semaphore(%arg8 : memref<!tpu.dma_semaphore, #tpu.memory_space<semaphore_mem>>)
        } else {
        }
        %dma_wait3A_140 = arith.constant 0 : i32
        %dma_wait3A_141 = arith.constant 2 : i32
        %dma_wait3A_142 = arith.constant 0 : i32
        %dma_wait3A_143 = arith.constant 0 : i32
        %dma_wait3A_144 = tpu.memref_slice %arg6[%dma_wait3A_141, %dma_wait3A_142, %dma_wait3A_143] : memref<3x256x128xf32, #tpu.memory_space<vmem>> -> memref<1x256x128xf32, #tpu.memory_space<vmem>>
        %dma_wait3A_145 = tpu.memref_squeeze %dma_wait3A_144 : memref<1x256x128xf32, #tpu.memory_space<vmem>> -> memref<256x128xf32, #tpu.memory_space<vmem>>
        %dma_wait3A_146 = arith.constant 0 : i32
        %dma_wait3A_147 = arith.constant 0 : i32
        %dma_wait3A_148 = tpu.memref_slice %dma_wait3A_145[%dma_wait3A_146, %dma_wait3A_147] : memref<256x128xf32, #tpu.memory_space<vmem>> -> memref<128x128xf32, #tpu.memory_space<vmem>>
        %dma_wait3A_149 = arith.constant 0 : i32
        %dma_wait3A_150 = tpu.memref_slice %arg5[%dma_wait3A_140, %dma_wait3A_149] : memref<200x128xi32, #tpu.memory_space<vmem>> -> memref<1x128xi32, #tpu.memory_space<vmem>>
        %dma_wait3A_151 = tpu.memref_squeeze %dma_wait3A_150 : memref<1x128xi32, #tpu.memory_space<vmem>> -> memref<128xi32, #tpu.memory_space<vmem>>
        %dma_wait3A_152 = arith.constant 0 : i32
        %dma_wait3A_153 = arith.constant 0 : i32
        %dma_wait3A_154 = tpu.memref_slice %arg3[%dma_wait3A_152, %dma_wait3A_153] : memref<1000000x128xf32, #tpu.memory_space<hbm>> -> memref<1000000x128xf32, #tpu.memory_space<hbm>>
        tpu.wait_indirect_dma semaphore(%arg9 : memref<!tpu.dma_semaphore, #tpu.memory_space<semaphore_mem>>) src(%dma_wait3A_154 : memref<1000000x128xf32, #tpu.memory_space<hbm>>) dst(%dma_wait3A_148 : memref<128x128xf32, #tpu.memory_space<vmem>>)
        %dma_wait3A_155 = arith.constant 0 : i32
        %dma_wait3A_156 = arith.constant 2 : i32
        %dma_wait3A_157 = arith.constant 0 : i32
        %dma_wait3A_158 = arith.constant 0 : i32
        %dma_wait3A_159 = tpu.memref_slice %arg6[%dma_wait3A_156, %dma_wait3A_157, %dma_wait3A_158] : memref<3x256x128xf32, #tpu.memory_space<vmem>> -> memref<1x256x128xf32, #tpu.memory_space<vmem>>
        %dma_wait3A_160 = tpu.memref_squeeze %dma_wait3A_159 : memref<1x256x128xf32, #tpu.memory_space<vmem>> -> memref<256x128xf32, #tpu.memory_space<vmem>>
        %dma_wait3A_161 = arith.constant 128 : i32
        %dma_wait3A_162 = arith.constant 0 : i32
        %dma_wait3A_163 = tpu.memref_slice %dma_wait3A_160[%dma_wait3A_161, %dma_wait3A_162] : memref<256x128xf32, #tpu.memory_space<vmem>> -> memref<128x128xf32, #tpu.memory_space<vmem>>
        %dma_wait3A_164 = arith.constant 0 : i32
        %dma_wait3A_165 = tpu.memref_slice %arg5[%dma_wait3A_155, %dma_wait3A_164] : memref<200x128xi32, #tpu.memory_space<vmem>> -> memref<1x128xi32, #tpu.memory_space<vmem>>
        %dma_wait3A_166 = tpu.memref_squeeze %dma_wait3A_165 : memref<1x128xi32, #tpu.memory_space<vmem>> -> memref<128xi32, #tpu.memory_space<vmem>>
        %dma_wait3A_167 = arith.constant 0 : i32
        %dma_wait3A_168 = arith.constant 0 : i32
        %dma_wait3A_169 = tpu.memref_slice %arg3[%dma_wait3A_167, %dma_wait3A_168] : memref<1000000x128xf32, #tpu.memory_space<hbm>> -> memref<1000000x128xf32, #tpu.memory_space<hbm>>
        tpu.wait_indirect_dma semaphore(%arg9 : memref<!tpu.dma_semaphore, #tpu.memory_space<semaphore_mem>>) src(%dma_wait3A_169 : memref<1000000x128xf32, #tpu.memory_space<hbm>>) dst(%dma_wait3A_163 : memref<128x128xf32, #tpu.memory_space<vmem>>)
        %mul3A_170 = arith.constant 256 : i32
        %mul3A_171 = arith.muli %while3A_116, %mul3A_170 : i32
        %add3A_172 = arith.addi %mul3A_2, %mul3A_171 : i32
        %dma_start3A_173 = arith.constant 2 : i32
        %dma_start3A_174 = arith.constant 0 : i32
        %dma_start3A_175 = arith.constant 0 : i32
        %dma_start3A_176 = tpu.memref_slice %arg6[%dma_start3A_173, %dma_start3A_174, %dma_start3A_175] : memref<3x256x128xf32, #tpu.memory_space<vmem>> -> memref<1x256x128xf32, #tpu.memory_space<vmem>>
        %dma_start3A_177 = tpu.memref_squeeze %dma_start3A_176 : memref<1x256x128xf32, #tpu.memory_space<vmem>> -> memref<256x128xf32, #tpu.memory_space<vmem>>
        %dma_start3A_178 = arith.constant 0 : i32
        %dma_start3A_179 = tpu.memref_slice %arg4[%add3A_172, %dma_start3A_178] : memref<819200x128xf32, #tpu.memory_space<hbm>> -> memref<256x128xf32, #tpu.memory_space<hbm>>
        %dma_start3A_180 = arith.constant 0 : i32
        %dma_start3A_181 = tpu.memref_slice %arg4[%add3A_172, %dma_start3A_180] : memref<819200x128xf32, #tpu.memory_space<hbm>> -> memref<256x128xf32, #tpu.memory_space<hbm>>
        %dma_start3A_182 = arith.constant 0 : i32
        %dma_start3A_183 = arith.constant 0 : i32
        %dma_start3A_184 = tpu.memref_slice %arg6[%dma_start3A_173, %dma_start3A_182, %dma_start3A_183] : memref<3x256x128xf32, #tpu.memory_space<vmem>> -> memref<1x256x128xf32, #tpu.memory_space<vmem>>
        %dma_start3A_185 = tpu.memref_squeeze %dma_start3A_184 : memref<1x256x128xf32, #tpu.memory_space<vmem>> -> memref<256x128xf32, #tpu.memory_space<vmem>>
        tpu.enqueue_dma source(%dma_start3A_185 : memref<256x128xf32, #tpu.memory_space<vmem>>) target(%dma_start3A_181 : memref<256x128xf32, #tpu.memory_space<hbm>>) target_semaphore(%arg12 : memref<!tpu.dma_semaphore, #tpu.memory_space<semaphore_mem>>)
      } else {
      }
    }
    %dma_wait3A = arith.constant 0 : i32
    %dma_wait3A_78 = arith.constant 0 : i32
    %dma_wait3A_79 = arith.constant 0 : i32
    %dma_wait3A_80 = tpu.memref_slice %arg6[%dma_wait3A, %dma_wait3A_78, %dma_wait3A_79] : memref<3x256x128xf32, #tpu.memory_space<vmem>> -> memref<1x256x128xf32, #tpu.memory_space<vmem>>
    %dma_wait3A_81 = tpu.memref_squeeze %dma_wait3A_80 : memref<1x256x128xf32, #tpu.memory_space<vmem>> -> memref<256x128xf32, #tpu.memory_space<vmem>>
    %dma_wait3A_82 = arith.constant 0 : i32
    %dma_wait3A_83 = tpu.memref_slice %arg4[%mul3A_2, %dma_wait3A_82] : memref<819200x128xf32, #tpu.memory_space<hbm>> -> memref<256x128xf32, #tpu.memory_space<hbm>>
    %dma_wait3A_84 = arith.constant 0 : i32
    %dma_wait3A_85 = tpu.memref_slice %arg4[%mul3A_2, %dma_wait3A_84] : memref<819200x128xf32, #tpu.memory_space<hbm>> -> memref<256x128xf32, #tpu.memory_space<hbm>>
    %dma_wait3A_86 = arith.constant 0 : i32
    %dma_wait3A_87 = arith.constant 0 : i32
    %dma_wait3A_88 = tpu.memref_slice %arg6[%dma_wait3A, %dma_wait3A_86, %dma_wait3A_87] : memref<3x256x128xf32, #tpu.memory_space<vmem>> -> memref<1x256x128xf32, #tpu.memory_space<vmem>>
    %dma_wait3A_89 = tpu.memref_squeeze %dma_wait3A_88 : memref<1x256x128xf32, #tpu.memory_space<vmem>> -> memref<256x128xf32, #tpu.memory_space<vmem>>
    tpu.wait_dma2 semaphore(%arg10 : memref<!tpu.dma_semaphore, #tpu.memory_space<semaphore_mem>>) src(%dma_wait3A_89 : memref<256x128xf32, #tpu.memory_space<vmem>>) dst(%dma_wait3A_85 : memref<256x128xf32, #tpu.memory_space<hbm>>)
    %dma_wait3A_90 = arith.constant 1 : i32
    %dma_wait3A_91 = arith.constant 0 : i32
    %dma_wait3A_92 = arith.constant 0 : i32
    %dma_wait3A_93 = tpu.memref_slice %arg6[%dma_wait3A_90, %dma_wait3A_91, %dma_wait3A_92] : memref<3x256x128xf32, #tpu.memory_space<vmem>> -> memref<1x256x128xf32, #tpu.memory_space<vmem>>
    %dma_wait3A_94 = tpu.memref_squeeze %dma_wait3A_93 : memref<1x256x128xf32, #tpu.memory_space<vmem>> -> memref<256x128xf32, #tpu.memory_space<vmem>>
    %dma_wait3A_95 = arith.constant 0 : i32
    %dma_wait3A_96 = tpu.memref_slice %arg4[%mul3A_2, %dma_wait3A_95] : memref<819200x128xf32, #tpu.memory_space<hbm>> -> memref<256x128xf32, #tpu.memory_space<hbm>>
    %dma_wait3A_97 = arith.constant 0 : i32
    %dma_wait3A_98 = tpu.memref_slice %arg4[%mul3A_2, %dma_wait3A_97] : memref<819200x128xf32, #tpu.memory_space<hbm>> -> memref<256x128xf32, #tpu.memory_space<hbm>>
    %dma_wait3A_99 = arith.constant 0 : i32
    %dma_wait3A_100 = arith.constant 0 : i32
    %dma_wait3A_101 = tpu.memref_slice %arg6[%dma_wait3A_90, %dma_wait3A_99, %dma_wait3A_100] : memref<3x256x128xf32, #tpu.memory_space<vmem>> -> memref<1x256x128xf32, #tpu.memory_space<vmem>>
    %dma_wait3A_102 = tpu.memref_squeeze %dma_wait3A_101 : memref<1x256x128xf32, #tpu.memory_space<vmem>> -> memref<256x128xf32, #tpu.memory_space<vmem>>
    tpu.wait_dma2 semaphore(%arg11 : memref<!tpu.dma_semaphore, #tpu.memory_space<semaphore_mem>>) src(%dma_wait3A_102 : memref<256x128xf32, #tpu.memory_space<vmem>>) dst(%dma_wait3A_98 : memref<256x128xf32, #tpu.memory_space<hbm>>)
    %dma_wait3A_103 = arith.constant 2 : i32
    %dma_wait3A_104 = arith.constant 0 : i32
    %dma_wait3A_105 = arith.constant 0 : i32
    %dma_wait3A_106 = tpu.memref_slice %arg6[%dma_wait3A_103, %dma_wait3A_104, %dma_wait3A_105] : memref<3x256x128xf32, #tpu.memory_space<vmem>> -> memref<1x256x128xf32, #tpu.memory_space<vmem>>
    %dma_wait3A_107 = tpu.memref_squeeze %dma_wait3A_106 : memref<1x256x128xf32, #tpu.memory_space<vmem>> -> memref<256x128xf32, #tpu.memory_space<vmem>>
    %dma_wait3A_108 = arith.constant 0 : i32
    %dma_wait3A_109 = tpu.memref_slice %arg4[%mul3A_2, %dma_wait3A_108] : memref<819200x128xf32, #tpu.memory_space<hbm>> -> memref<256x128xf32, #tpu.memory_space<hbm>>
    %dma_wait3A_110 = arith.constant 0 : i32
    %dma_wait3A_111 = tpu.memref_slice %arg4[%mul3A_2, %dma_wait3A_110] : memref<819200x128xf32, #tpu.memory_space<hbm>> -> memref<256x128xf32, #tpu.memory_space<hbm>>
    %dma_wait3A_112 = arith.constant 0 : i32
    %dma_wait3A_113 = arith.constant 0 : i32
    %dma_wait3A_114 = tpu.memref_slice %arg6[%dma_wait3A_103, %dma_wait3A_112, %dma_wait3A_113] : memref<3x256x128xf32, #tpu.memory_space<vmem>> -> memref<1x256x128xf32, #tpu.memory_space<vmem>>
    %dma_wait3A_115 = tpu.memref_squeeze %dma_wait3A_114 : memref<1x256x128xf32, #tpu.memory_space<vmem>> -> memref<256x128xf32, #tpu.memory_space<vmem>>
    tpu.wait_dma2 semaphore(%arg12 : memref<!tpu.dma_semaphore, #tpu.memory_space<semaphore_mem>>) src(%dma_wait3A_115 : memref<256x128xf32, #tpu.memory_space<vmem>>) dst(%dma_wait3A_111 : memref<256x128xf32, #tpu.memory_space<hbm>>)
    return
  }
}

module attributes {stable_mosaic.version = 14 : i64} {
  func.func @_proj_body(%arg0: i32, %arg1: memref<4096x200xi32, #tpu.memory_space<vmem>>, %arg2: memref<64x24576xf32, #tpu.memory_space<vmem>>, %arg3: memref<128x64xf32, #tpu.memory_space<vmem>>, %arg4: memref<1xf32, #tpu.memory_space<smem>>, %arg5: memref<4096x200xi32, #tpu.memory_space<vmem>>, %arg6: memref<24576x128xf32, #tpu.memory_space<vmem>>) attributes {dimension_semantics = [#tpu.dimension_semantics<arbitrary>], iteration_bounds = array<i64: 41>, scalar_prefetch = 0 : i64, scratch_operands = 0 : i64, tpu.core_type = #tpu.core_type<tc>, window_params = [{pipeline_mode = #tpu.pipeline_mode<synchronous>, transform_indices = @transform_0, window_bounds = array<i64: 4096, 200>}, {transform_indices = @transform_1, window_bounds = array<i64: 64, 24576>}, {pipeline_mode = #tpu.pipeline_mode<synchronous>, transform_indices = @transform_2, window_bounds = array<i64: 128, 64>}, {transform_indices = @transform_3, window_bounds = array<i64: 1>}, {pipeline_mode = #tpu.pipeline_mode<synchronous>, transform_indices = @transform_4, window_bounds = array<i64: 4096, 200>}, {transform_indices = @transform_5, window_bounds = array<i64: 24576, 128>}]} {
    %eq3A = arith.constant 0 : i32
    %eq3A_0 = arith.cmpi eq, %arg0, %eq3A : i32
    %convert_element_type3A = arith.extui %eq3A_0 : i1 to i32
    %cond3A = arith.constant 0 : i32
    %cond3A_1 = arith.cmpi ne, %convert_element_type3A, %cond3A : i32
    scf.if %cond3A_1 {
      %get3A_13 = arith.constant 0 : index
      %get3A_14 = arith.constant 0 : index
      %get3A_15 = vector.load %arg1[%get3A_13, %get3A_14] : memref<4096x200xi32, #tpu.memory_space<vmem>>, vector<4096x200xi32>
      %roll3A = arith.constant 1 : i32
      %roll3A_16 = tpu.dynamic_rotate %get3A_15 by %roll3A dim 1 : vector<4096x200xi32>, i32 -> vector<4096x200xi32>
      %mul3A_17 = arith.constant 40143 : i32
      %mul3A_18 = vector.broadcast %mul3A_17 : i32 to vector<4096x200xi32>
      %mul3A_19 = arith.muli %roll3A_16, %mul3A_18 : vector<4096x200xi32>
      %mul3A_20 = arith.constant 18087 : i32
      %mul3A_21 = vector.broadcast %mul3A_20 : i32 to vector<4096x200xi32>
      %mul3A_22 = arith.muli %roll3A_16, %mul3A_21 : vector<4096x200xi32>
      %shift_right_logical3A = arith.constant 2 : i32
      %shift_right_logical3A_23 = vector.broadcast %shift_right_logical3A : i32 to vector<4096x200xi32>
      %shift_right_logical3A_24 = arith.shrui %mul3A_19, %shift_right_logical3A_23 : vector<4096x200xi32>
      %and3A = arith.constant 3 : i32
      %and3A_25 = vector.broadcast %and3A : i32 to vector<4096x200xi32>
      %and3A_26 = arith.andi %mul3A_19, %and3A_25 : vector<4096x200xi32>
      %mul3A_27 = arith.constant 32768 : i32
      %mul3A_28 = vector.broadcast %mul3A_27 : i32 to vector<4096x200xi32>
      %mul3A_29 = arith.muli %and3A_26, %mul3A_28 : vector<4096x200xi32>
      %add3A = arith.addi %mul3A_29, %mul3A_22 : vector<4096x200xi32>
      %shift_right_arithmetic3A = arith.constant 17 : i32
      %shift_right_arithmetic3A_30 = vector.broadcast %shift_right_arithmetic3A : i32 to vector<4096x200xi32>
      %shift_right_arithmetic3A_31 = arith.shrsi %add3A, %shift_right_arithmetic3A_30 : vector<4096x200xi32>
      %add3A_32 = arith.addi %shift_right_logical3A_24, %shift_right_arithmetic3A_31 : vector<4096x200xi32>
      %and3A_33 = arith.constant 131071 : i32
      %and3A_34 = vector.broadcast %and3A_33 : i32 to vector<4096x200xi32>
      %and3A_35 = arith.andi %add3A, %and3A_34 : vector<4096x200xi32>
      %xor3A = arith.xori %and3A_35, %get3A_15 : vector<4096x200xi32>
      %rem3A = arith.constant 1000000 : i32
      %rem3A_36 = vector.broadcast %rem3A : i32 to vector<4096x200xi32>
      %rem3A_37 = arith.remsi %add3A_32, %rem3A_36 : vector<4096x200xi32>
      %shift_right_arithmetic3A_38 = arith.constant 10 : i32
      %shift_right_arithmetic3A_39 = vector.broadcast %shift_right_arithmetic3A_38 : i32 to vector<4096x200xi32>
      %shift_right_arithmetic3A_40 = arith.shrsi %rem3A_37, %shift_right_arithmetic3A_39 : vector<4096x200xi32>
      %and3A_41 = arith.constant 1023 : i32
      %and3A_42 = vector.broadcast %and3A_41 : i32 to vector<4096x200xi32>
      %and3A_43 = arith.andi %rem3A_37, %and3A_42 : vector<4096x200xi32>
      %mul3A_44 = arith.constant 217728 : i32
      %mul3A_45 = vector.broadcast %mul3A_44 : i32 to vector<4096x200xi32>
      %mul3A_46 = arith.muli %shift_right_arithmetic3A_40, %mul3A_45 : vector<4096x200xi32>
      %mul3A_47 = arith.constant 131072 : i32
      %mul3A_48 = vector.broadcast %mul3A_47 : i32 to vector<4096x200xi32>
      %mul3A_49 = arith.muli %and3A_43, %mul3A_48 : vector<4096x200xi32>
      %add3A_50 = arith.addi %mul3A_46, %mul3A_49 : vector<4096x200xi32>
      %add3A_51 = arith.addi %add3A_50, %xor3A : vector<4096x200xi32>
      %rem3A_52 = arith.constant 1000000 : i32
      %rem3A_53 = vector.broadcast %rem3A_52 : i32 to vector<4096x200xi32>
      %rem3A_54 = arith.remsi %add3A_51, %rem3A_53 : vector<4096x200xi32>
      %iota3A = tpu.iota {dimensions = array<i32: 1>} : vector<4096x200xi32>
      %eq3A_55 = arith.constant 0 : i32
      %eq3A_56 = vector.broadcast %eq3A_55 : i32 to vector<4096x200xi32>
      %eq3A_57 = arith.cmpi eq, %iota3A, %eq3A_56 : vector<4096x200xi32>
      %select_n3A = arith.select %eq3A_57, %get3A_15, %rem3A_54 : vector<4096x200xi1>, vector<4096x200xi32>
      %swap3A_58 = arith.constant 0 : index
      %swap3A_59 = arith.constant 0 : index
      %swap3A_60 = vector.load %arg5[%swap3A_58, %swap3A_59] : memref<4096x200xi32, #tpu.memory_space<vmem>>, vector<4096x200xi32>
      tpu.vector_store %arg5[%swap3A_58, %swap3A_59], %select_n3A {strides = array<i32>} : memref<4096x200xi32, #tpu.memory_space<vmem>>, vector<4096x200xi32>,
    } else {
    }
    %get3A = arith.constant 0 : index
    %get3A_2 = arith.constant 0 : index
    %get3A_3 = vector.load %arg2[%get3A, %get3A_2] : memref<64x24576xf32, #tpu.memory_space<vmem>>, vector<64x24576xf32>
    %get3A_4 = arith.constant 0 : index
    %get3A_5 = arith.constant 0 : index
    %get3A_6 = vector.load %arg3[%get3A_4, %get3A_5] : memref<128x64xf32, #tpu.memory_space<vmem>>, vector<128x64xf32>
    %dot_general3A = arith.constant dense<0.000000e+00> : vector<24576x128xf32>
    %dot_general3A_7 = tpu.matmul %get3A_3, %get3A_6, %dot_general3A {dimension_numbers = #tpu.dot_dimension_numbers<[0], [1], [1], [0], [0, 1, 1, 0], [], []>, transpose_lhs_hint = false} : vector<64x24576xf32>, vector<128x64xf32>, vector<24576x128xf32> -> vector<24576x128xf32>
    %get3A_8 = arith.constant 0 : index
    %get3A_9 = memref.load %arg4[%get3A_8] : memref<1xf32, #tpu.memory_space<smem>>
    %mul3A = vector.broadcast %get3A_9 : f32 to vector<24576x128xf32>
    %mul3A_10 = arith.mulf %mul3A, %dot_general3A_7 : vector<24576x128xf32>
    %swap3A = arith.constant 0 : index
    %swap3A_11 = arith.constant 0 : index
    %swap3A_12 = vector.load %arg6[%swap3A, %swap3A_11] : memref<24576x128xf32, #tpu.memory_space<vmem>>, vector<24576x128xf32>
    tpu.vector_store %arg6[%swap3A, %swap3A_11], %mul3A_10 {strides = array<i32>} : memref<24576x128xf32, #tpu.memory_space<vmem>>, vector<24576x128xf32>,
    return
  }
  func.func @transform_0(%arg0: i32) -> (i32, i32) {
    %c0_i32 = arith.constant 0 : i32
    %c0_i32_0 = arith.constant 0 : i32
    %c0_i32_1 = arith.constant 0 : i32
    return %c0_i32, %c0_i32_0 : i32, i32
  }
  func.func @transform_1(%arg0: i32) -> (i32, i32) {
    %c0_i32 = arith.constant 0 : i32
    %c0_i32_0 = arith.constant 0 : i32
    return %c0_i32, %arg0 : i32, i32
  }
  func.func @transform_2(%arg0: i32) -> (i32, i32) {
    %c0_i32 = arith.constant 0 : i32
    %c0_i32_0 = arith.constant 0 : i32
    %c0_i32_1 = arith.constant 0 : i32
    return %c0_i32, %c0_i32_0 : i32, i32
  }
  func.func @transform_3(%arg0: i32) -> i32 {
    %c0_i32 = arith.constant 0 : i32
    %c0_i32_0 = arith.constant 0 : i32
    return %c0_i32 : i32
  }
  func.func @transform_4(%arg0: i32) -> (i32, i32) {
    %c0_i32 = arith.constant 0 : i32
    %c0_i32_0 = arith.constant 0 : i32
    %c0_i32_1 = arith.constant 0 : i32
    return %c0_i32, %c0_i32_0 : i32, i32
  }
  func.func @transform_5(%arg0: i32) -> (i32, i32) {
    %c0_i32 = arith.constant 0 : i32
    %c0_i32_0 = arith.constant 0 : i32
    return %arg0, %c0_i32 : i32, i32
  }
}

</mosaic_0001>

<sc_bundles>
// kernel: kernel.4.cloned.1.call-start
scs
__scs_entry_jumppad:
0x0: {  	(pc) =	sbr.rel $0x88, $3  }
0x1: {  	(tag) =	ssettag $0x0;
	lr =	simm.s32 $0x1  }
0x2: {  	[smem:$0x3F9D] =	sst lr;
	_ =	strace $0xD0000000  }
0x3: {  	_ = 	snop  }
0x4: {  	_ = 	snop  }
0x5: {  	_ = 	snop  }
0x6: {  	_ = 	snop  }
0x7: {  	_ = 	snop  }
__scs_overlays_trampoline_lowered:
0x8: {  	[smem:$0x3FAC] =	sst s0  }
0x9: {  	[smem:$0x3FAD] =	sst s1  }
0xa: {  	[smem:$0x3FAE] =	sst s2  }
0xb: {  	[smem:$0x3FAF] =	sst s3  }
0xc: {  	[smem:$0x3FB0] =	sst s4  }
0xd: {  	[smem:$0x3FB1] =	sst s5  }
0xe: {  	[smem:$0x3FB2] =	sst s6  }
0xf: {  	[smem:$0x3FB3] =	sst s7  }
0x10: {  	[smem:$0x3FB4] =	sst s8  }
0x11: {  	[smem:$0x3FB5] =	sst s9;
	s0 =	simm.s32 @!p0 $0x0  }
0x12: {  	s1 =	sld [smem:$0x3F9B];
	s0 =	simm.s32 @p0 $0x1  }
0x13: {  	[smem:$0x3FB6] =	sst s0;
	s0 =	simm.s32 @!p1 $0x0  }
0x14: {  	s2 =	sld [smem:$0x3F9A];
	s0 =	simm.s32 @p1 $0x1  }
0x15: {  	[smem:$0x3FB7] =	sst s0;
	s0 =	simm.s32 @!p2 $0x0  }
0x16: {  	s3 =	sld [smem:$0x3FDB];
	s0 =	simm.s32 @p2 $0x1  }
0x17: {  	s4 =	simm.s32 $0x1BF5;
	[smem:$0x3FB9] =	sst s0  }
0x18: {  	s0 =	sld [smem:$0x3F9C];
	_ =	swait.ge [sflag:s4], $0x0  }
0x19: {  	s7 =	sld [smem:$0x3F9D]  }
0x1a: {  	s8 =	sadd.s32 $0xFFFFE003, lr  }
0x1b: {  	s9 =	sadd.s32 $0xFFFFFEF7, lr;
	s5 =	simm.s32 $0xFFFFFFFF;
	p2 =	slt.u32 s8, $0xFFFFF086  }
0x1c: {  	p1 =	slt.u32 s9, $0xF7A;
	s5 =	simm.s32 @!p2 $0x0  }
0x1d: {  	s5 =	simm.s32 @p1 $0x1;
	p0 =	seq.s32 s7, s2  }
0x1e: {  	s7 =	smul.u32 @!p0 $0xF7A, s2;
	p2 =	seq.s32 @!p0 s5, $0x0  }
0x1f: {  	s9 =	smul.u32 $0xF7A, s1;
	s8 =	simm.s32 @!p0 $0x1BF5;
	p2 =	por !p2, p0  }
0x20: {  	[sflag:s8] =	ssyncset.s32 @!p0 $0xFFFFF086;
	s6 =	sadd.s32 @!p0 s3, s7;
	s7 =	simm.s32 @!p0 $0x108  }
0x21: {  	s3 =	sadd.s32 s3, s9;
	s6 =	sadd.s32 @!p0 $0x88, s6;
	s7 =	simm.s32 @p2 $0x1082  }
0x22: {  	[simem:s7], [sflag:s8] =	dma.local @!p0 [hbm:s6], $0xF7A  }
0x23: {  	s9 =	sor.u32 $0xD0000000, s2;
	s6 =	simm.s32 $0x108;
	_ =	swait.ge @!p0 [sflag:s8], $0x0  }
0x24: {  	s3 =	sadd.s32 $0x88, s3;
	s6 =	simm.s32 @!p1 $0x1082;
	[sflag:s4] =	ssyncset.s32 $0xFFFFF086  }
0x25: {  	[simem:s6], [sflag:s4] =	dma.local [hbm:s3], $0xF7A  }
0x26: {  	[smem:$0x3F9D] =	sst s1;
	(tag) =	ssettag s2;
	_ =	strace s9  }
0x27: {  	s1 =	sld [smem:$0x3FAD]  }
0x28: {  	s2 =	sld [smem:$0x3FAE]  }
0x29: {  	s4 =	sld [smem:$0x3FB0]  }
0x2a: {  	p0 =	seq.s32 s5, $0x0;
	s5 =	sld [smem:$0x3FB1]  }
0x2b: {  	s6 =	sld [smem:$0x3FB2]  }
0x2c: {  	s7 =	sld [smem:$0x3FB3]  }
0x2d: {  	s3 =	simm.s32 $0x108;
	s8 =	sld [smem:$0x3FB4]  }
0x2e: {  	s3 =	simm.s32 @!p0 $0x1082;
	s9 =	sld [smem:$0x3FB5]  }
0x2f: {  	lr =	sadd.s32 s0, s3;
	s0 =	sld [smem:$0x3FAC]  }
0x30: {  	s3 =	sld [smem:$0x3FAF]  }
0x31: {  	[smem:$0x3FB8] =	sst s10  }
0x32: {  	s10 =	sld [smem:$0x3FB6];
	_ =	sdelay $0x3  }
0x33: {  	p0 =	seq.s32 s10, $0x1;
	s10 =	sld [smem:$0x3FB8];
	_ =	sdelay $0x3  }
0x34: {  	[smem:$0x3FB8] =	sst s10  }
0x35: {  	s10 =	sld [smem:$0x3FB7];
	_ =	sdelay $0x3  }
0x36: {  	p1 =	seq.s32 s10, $0x1;
	s10 =	sld [smem:$0x3FB8];
	_ =	sdelay $0x3  }
0x37: {  	[smem:$0x3FB8] =	sst s10  }
0x38: {  	s10 =	sld [smem:$0x3FB9]  }
0x39: {  	_ = 	snop;
	(pc) =	sbr.ind lr, $3  }
0x3a: {  	_ = 	snop  }
0x3b: {  	_ = 	snop  }
0x3c: {  	p2 =	seq.s32 s10, $0x1;
	s10 =	sld [smem:$0x3FB8]  }
0x3d: {  	_ =	shalt  }
0x3e: {  	_ =	shalt  }
0x3f: {  	_ =	shalt  }
0x40: {  	_ =	shalt  }
0x41: {  	_ =	shalt  }
0x42: {  	_ =	shalt  }
0x43: {  	_ =	shalt  }
0x44: {  	_ =	shalt  }
0x45: {  	_ =	shalt  }
0x46: {  	_ =	shalt  }
0x47: {  	_ =	shalt  }
0x48: {  	_ =	shalt  }
0x49: {  	_ =	shalt  }
0x4a: {  	_ =	shalt  }
0x4b: {  	_ =	shalt  }
0x4c: {  	_ =	shalt  }
0x4d: {  	_ =	shalt  }
0x4e: {  	_ =	shalt  }
0x4f: {  	_ =	shalt  }
0x50: {  	_ =	shalt  }
0x51: {  	_ =	shalt  }
0x52: {  	_ =	shalt  }
0x53: {  	_ =	shalt  }
0x54: {  	_ =	shalt  }
0x55: {  	_ =	shalt  }
0x56: {  	_ =	shalt  }
0x57: {  	_ =	shalt  }
0x58: {  	_ =	shalt  }
0x59: {  	_ =	shalt  }
0x5a: {  	_ =	shalt  }
0x5b: {  	_ =	shalt  }
0x5c: {  	_ =	shalt  }
0x5d: {  	_ =	shalt  }
0x5e: {  	_ =	shalt  }
0x5f: {  	_ =	shalt  }
0x60: {  	_ =	shalt  }
0x61: {  	_ =	shalt  }
0x62: {  	_ =	shalt  }
0x63: {  	_ =	shalt  }
0x64: {  	_ =	shalt  }
0x65: {  	_ =	shalt  }
0x66: {  	_ =	shalt  }
0x67: {  	_ =	shalt  }
0x68: {  	_ =	shalt  }
0x69: {  	_ =	shalt  }
0x6a: {  	_ =	shalt  }
0x6b: {  	_ =	shalt  }
0x6c: {  	_ =	shalt  }
0x6d: {  	_ =	shalt  }
0x6e: {  	_ =	shalt  }
0x6f: {  	_ =	shalt  }
0x70: {  	_ =	shalt  }
0x71: {  	_ =	shalt  }
0x72: {  	_ =	shalt  }
0x73: {  	_ =	shalt  }
0x74: {  	_ =	shalt  }
0x75: {  	_ =	shalt  }
0x76: {  	_ =	shalt  }
0x77: {  	_ =	shalt  }
0x78: {  	_ =	shalt  }
0x79: {  	_ =	shalt  }
0x7a: {  	_ =	shalt  }
0x7b: {  	_ =	shalt  }
0x7c: {  	_ =	shalt  }
0x7d: {  	_ =	shalt  }
0x7e: {  	_ =	shalt  }
0x7f: {  	_ =	shalt  }
0x80: {  	_ =	shalt  }
0x81: {  	_ =	shalt  }
0x82: {  	_ =	shalt  }
0x83: {  	_ =	shalt  }
0x84: {  	_ =	shalt  }
0x85: {  	_ =	shalt  }
0x86: {  	_ =	shalt  }
0x87: {  	_ =	shalt  }
.Lfunc_end0:
.L_simem_size_0:
called_computation_lowered:
.L_overlay_start_0:
0x88: {  	s2 =	sld [smem:$0x3FD9]  }
0x89: {  	s3 =	sld [smem:$0x3FFE];
	_ =	sdelay $0x1  }
0x8a: {  	s1 =	srdreg.scid  }
0x8b: {  	s0 =	sand.u32 $0x1, s1  }
0x8c: {  	s17 =	sshll.u32 s0, $0xA;
	s2 =	sadd.s32 s3, s2  }
0x8d: {  	s2 =	sadd.s32 s2, s17  }
0x8e: {  	[smem:$0x3FC4] =	sst s2  }
0x8f: {  	_ = 	snop  }
0x90: {  	s2 =	sld [smem:$0x3FD0];
	(tm) =	ssettm $0x1  }
0x91: {  	s18 =	sld [smem:$0x3FFB];
	_ =	sdelay $0x3  }
0x92: {  	_ =	strace s18  }
0x93: {  	s3 =	sld [smem:$0x3FFC];
	_ =	sdelay $0x3  }
0x94: {  	_ =	strace s3  }
0x95: {  	s3 =	sld [smem:$0x3FFD];
	_ =	sdelay $0x3  }
0x96: {  	_ =	strace s3  }
0x97: {  	_ =	strace $0x8FFFFFFF  }
0x98: {  	s19 =	sld [smem:$0x3FDB];
	_ =	sdelay $0x1  }
0x99: {  	s4 =	simm.s32 $_scs_section_size  }
0x9a: {  	s5 =	simm.s32 $_size__tile_overlayer_lowered;
	s6 =	simm.s32 $_tile_overlayer_lowered  }
0x9b: {  	s22 =	simm.s32 $0x1BFF;
	s21 =	sshll.u32 s6, $0x1;
	s3 =	sadd.s32 s4, s19  }
0x9c: {  	s7 =	simm.s32 $0x0;
	s20 =	sshll.u32 s5, $0x1;
	s5 =	sadd.s32 s21, s3  }
0x9d: {  	[timem:s7], [sflag:s22] =	dma.local [hbm:s5], s20  }
0x9e: {  	_ =	swait.ge [sflag:s22], s20  }
0x9f: {  	s4 =	ssub.s32 $0x0, s20;
	[sflag:s22] =	ssyncset.done $0x0  }
0xa0: {  	[sflag:s22] =	ssyncadd.s32 s4;
	_ =	sdelay $0x1  }
0xa1: {  	s23 =	simm.s32 $0x1B8B  }
0xa2: {  	_ =	swait.ge [sflag:s23], $0x1  }
0xa3: {  	[sflag:s23] =	ssyncset.done $0x0  }
0xa4: {  	s25 =	simm.s32 $0x1B8E;
	s24 =	sld [smem:$0x3FFE];
	[sflag:s23] =	ssyncadd.s32 $0xFFFFFFFF  }
0xa5: {  	s26 =	simm.s32 $execute0_lowered;
	[smem:$0x3FD2] =	sst s25  }
0xa6: {  	s5 =	sshll.u32 s26, $0x1;
	_ =	strace $0x80000046;
	[dreg:$0x1] =	wrdreg $0xFFFFFFFF  }
0xa7: {  	s28 =	simm.s32 $_size_execute0_lowered;
	s3 =	sadd.s32 s3, s5;
	[dreg:$0x0] =	wrdreg $0x0  }
0xa8: {  	s5 =	sshll.u32 s28, $0x1;
	[dreg:$0x2] =	wrdreg s3  }
0xa9: {  	[dreg:$0x3] =	wrdreg s5  }
0xaa: {  	[dreg:$0x4] =	wrdreg $0xC0  }
0xab: {  	_ =	task [dreg:s7], $0x5FFFF  }
0xac: {  	[dreg:$0x1] =	wrdreg $0xFFFFFFFF  }
0xad: {  	[dreg:$0x0] =	wrdreg $0x60  }
0xae: {  	[dreg:$0x2] =	wrdreg s24  }
0xaf: {  	[dreg:$0x3] =	wrdreg s2  }
0xb0: {  	[dreg:$0x4] =	wrdreg $0x9  }
0xb1: {  	_ =	task.clear_ibuf [dreg:s7], $0x5FFFF;
	_ =	strace $0x90000046  }
0xb2: {  	s29 =	simm.s32 $0x9;
	_ =	strace $0x80000048  }
0xb3: {  	_ =	swait.ge [sflag:s29], $0x1  }
0xb4: {  	[sflag:s29] =	ssyncadd.s32 $0xFFFFFFFF  }
0xb5: {  	_ =	strace $0x90000048  }
0xb6: {  	_ =	sfence  }
0xb7: {  	s30 =	sld [smem:$0x0];
	_ =	sdelay $0x2  }
0xb8: {  	s31 =	sshll.u32 s1, $0xD;
	s1 =	sshrl.u32 s1, $0x2  }
0xb9: {  	s3 =	sand.u32 $0x4000, s31;
	s1 =	sadd.s32 s1, s30  }
0xba: {  	s0 =	sor.u32 s3, s0;
	s1 =	sshll.u32 s1, $0x11  }
0xbb: {  	s0 =	sor.u32 s1, s0  }
0xbc: {  	s0 =	sadd.s32 $0x8F2B, s0  }
0xbd: {  	[sflag:s0] =	ssyncadd.remote.s32 $0x1  }
0xbe: {  	_ =	sfence.sel $0xFFFF  }
0xbf: {  	[dreg:$0x0] =	wrdreg $0xFFFFFFFF;
	(pc) =	sbr.abs _section_cstart, $3  }
0xc0: {  	[dreg:$0x1] =	wrdreg $0xFFFFFFFF  }
0xc1: {  	_ =	task.clear_ibuf [dreg:s7], $0x2FFFF;
	_ =	strace $0x9FFFFFFF  }
0xc2: {  	(tm) =	ssettm $0x7FFFFFFF  }
0xc3: {  	_ =	shalt  }
tec
execute0_lowered:
.L_overlay_start_1:
0x0: {  	(tag) =	ssettag $0x1  }
0x1: {  	s1 =	srdreg.scid;
	s4 =	rddreg [dreg:$0x0]  }
0x2: {  	s0 =	stileid.u32;
	s6 =	rddreg [dreg:$0x1];
	s2 =	simm.s32 $0x0  }
0x3: {  	s10 =	simm.s32 $0xA400;
	s11 =	simm.s32 $0x100;
	s12 =	simm.s32 $0xE400  }
0x4: {  	s13 =	simm.s32 $0x180;
	s14 =	simm.s32 $0x12400;
	s15 =	simm.s32 $0x3  }
0x5: {  	s16 =	simm.s32 $0x16400;
	s17 =	simm.s32 $0x4;
	s18 =	simm.s32 $0x5  }
0x6: {  	s19 =	simm.s32 $0x6;
	s20 =	simm.s32 $0x2;
	s21 =	simm.s32 $0x1  }
0x7: {  	s3 =	sand.u32 $0x1, s1;
	s29 =	sshll.u32 s0, $0x1;
	s7 =	smul.u32 $0x640000, s0  }
0x8: {  	s22 =	simm.s32 $0x0;
	s1 =	sor.u32 s3, s29;
	s8 =	smul.u32 $0x320000, s3  }
0x9: {  	[smem:$0x7FF] =	sst s2;
	s9 =	ssub.s32 $0x2, s3;
	s5 =	smul.u32 $0xC80, s1  }
.Ltmp0:
0xa: {  	s3 =	sadd.s32 $0x21000, s4;
	s1 =	rddreg [dreg:$0x2];
	(pc) =	sbr.rel .LBB2_1-.Ltmp0, $4  }
0xb: {  	_ =	strace $0x80000047;
	s30 =	sshrl.u32 s9, $0x1;
	s7 =	sadd.s32 s8, s7  }
0xc: {  	s31 =	ssub.s32 s9, s30;
	s8 =	simm.s32 $0x80;
	s5 =	sadd.s32 s5, s4  }
0xd: {  	s9 =	simm.s32 $0x6400;
	s7 =	sshrl.u32 s7, $0x3;
	s4 =	sadd.s32 $0xF63400, s5  }
0xe: {  	s5 =	smax.u32 s31, $0x1;
	s6 =	sadd.s32 s7, s6;
	s7 =	simm.s32 $0x7  }
.LBB2_8:
0xf: {  	_ =	swait.ge [sflag:s17], $0x8000  }
0x10: {  	[sflag:s17] =	ssyncset.done $0x0  }
0x11: {  	s22 =	sadd.s32 $0x1, s22;
	[sflag:s17] =	ssyncadd.s32 $0xFFFF8000  }
0x12: {  	p0 =	sne.s32 s22, s5;
	_ =	swait.ge [sflag:s18], $0x8000  }
.Ltmp1:
0x13: {  	[sflag:s18] =	ssyncset.done $0x0;
	(pc) =	sbr.rel @!p0 .LBB2_9-.Ltmp1, $4  }
0x14: {  	[sflag:s18] =	ssyncadd.s32 $0xFFFF8000  }
0x15: {  	_ =	swait.ge [sflag:s19], $0x8000  }
0x16: {  	[sflag:s19] =	ssyncset.done $0x0  }
0x17: {  	[sflag:s19] =	ssyncadd.s32 $0xFFFF8000  }
.LBB2_1:
0x18: {  	[tilespmem:s2], [sflag:$0x7] =	stream.linear.gather [hbm4b:s4+s2], $0x6400, $0x38;
	[tilespmem:$0x1E400] =	vst v63  }
0x19: {  	_ =	swait.ge [sflag:s7], $0x6400  }
0x1a: {  	[sflag:s7] =	ssyncset.done $0x0  }
0x1b: {  	[sflag:s7] =	ssyncadd.s32 $0xFFFF9C00  }
0x1c: {  	[tilespmem:s9], [sflag:$0x1] =	stream.indirect.gather [hbm4b:s3+s8], $0x80, s2, s8, $0xb8;
	[tilespmem:$0x1E400] =	vst v63  }
0x1d: {  	_ = 	snop  }
0x1e: {  	[tilespmem:s10], [sflag:$0x1] =	stream.indirect.gather [hbm4b:s3+s8], $0x80, s8, s8, $0xb8;
	[tilespmem:$0x1E400] =	vst v63  }
.Ltmp2:
0x1f: {  	_ = 	snop;
	(pc) =	sbr.rel .LBB2_2-.Ltmp2, $4  }
0x20: {  	_ = 	snop  }
0x21: {  	[tilespmem:s12], [sflag:$0x2] =	stream.indirect.gather [hbm4b:s3+s8], $0x80, s11, s8, $0xb8;
	[tilespmem:$0x1E400] =	vst v63  }
0x22: {  	s23 =	simm.s32 $0x280;
	s24 =	smov.u32 s6;
	s25 =	simm.s32 $0x0  }
0x23: {  	[tilespmem:s14], [sflag:$0x2] =	stream.indirect.gather [hbm4b:s3+s8], $0x80, s13, s8, $0xb8;
	[tilespmem:$0x1E400] =	vst v63  }
.LBB2_6:
0x24: {  	p0 =	sgt.u32 s25, $0x61  }
0x25: {  	s26 =	simm.s32 @!p0 $0x5  }
0x26: {  	_ =	swait.ge @!p0 [sflag:s26], $0x8000  }
0x27: {  	s28 =	simm.s32 @!p0 $0x80;
	[sflag:s26] =	ssyncset.done @!p0 $0x0  }
0x28: {  	s29 =	simm.s32 @!p0 $0xE400;
	[sflag:s26] =	ssyncadd.s32 @!p0 $0xFFFF8000;
	s26 =	sadd.s32 @!p0 $0xFFFFFF80, s23  }
0x29: {  	[tilespmem:s29], [sflag:$0x2] =	stream.indirect.gather @!p0 [hbm4b:s3+s28], $0x80, s26, s28, $0xb8;
	[tilespmem:$0x1E400] =	vst v63  }
0x2a: {  	s26 =	simm.s32 @!p0 $0x12400  }
0x2b: {  	[tilespmem:s26], [sflag:$0x2] =	stream.indirect.gather @!p0 [hbm4b:s3+s28], $0x80, s23, s28, $0xb8;
	[tilespmem:$0x1E400] =	vst v63  }
0x2c: {  	_ =	swait.ge [sflag:s15], $0x4000  }
0x2d: {  	[sflag:s15] =	ssyncset.done $0x0  }
0x2e: {  	[sflag:s15] =	ssyncadd.s32 $0xFFFFC000  }
0x2f: {  	_ =	swait.ge [sflag:s15], $0x4000  }
0x30: {  	[sflag:s15] =	ssyncset.done $0x0  }
0x31: {  	[sflag:s15] =	ssyncadd.s32 $0xFFFFC000  }
0x32: {  	[hbm4b:s24+s2] =	stream.linear.scatter [tilespmem:s16], [sflag:$0x6], $0x8000, $0x38;
	[tilespmem:$0x1E400] =	vst v63  }
.LBB2_7:
0x33: {  	s25 =	sadd.s32 $0x1, s25  }
0x34: {  	p0 =	sne.s32 s25, $0x64  }
.Ltmp3:
0x35: {  	_ = 	snop;
	(pc) =	sbr.rel @!p0 .LBB2_8-.Ltmp3, $2  }
0x36: {  	_ =	sdelay $0x2  }
0x37: {  	s23 =	sadd.s32 $0x100, s23;
	s24 =	sadd.s32 $0x1000, s24  }
.LBB2_2:
0x38: {  	s26 =	smul.u32 $0xAB, s25;
	_ =	sdelay $0x1  }
0x39: {  	s26 =	sshrl.u32 s26, $0x9  }
0x3a: {  	s26 =	sand.u32 $0x7F, s26  }
0x3b: {  	s26 =	smul.u32 $0x3, s26;
	_ =	sdelay $0x1  }
0x3c: {  	s26 =	ssub.s32 s25, s26  }
0x3d: {  	s26 =	sand.u32 $0xFF, s26  }
0x3e: {  	p0 =	seq.s32 s26, $0x2  }
.Ltmp4:
0x3f: {  	_ = 	snop;
	(pc) =	sbr.rel @p0 .LBB2_6-.Ltmp4, $1  }
0x40: {  	_ =	sdelay $0x3  }
0x41: {  	p0 =	seq.s32 s26, $0x1  }
.Ltmp5:
0x42: {  	_ = 	snop;
	(pc) =	sbr.rel @!p0 .LBB2_4-.Ltmp5, $1  }
0x43: {  	_ =	sdelay $0x3  }
0x44: {  	p0 =	sgt.u32 s25, $0x61  }
0x45: {  	s26 =	simm.s32 @!p0 $0x4  }
0x46: {  	_ =	swait.ge @!p0 [sflag:s26], $0x8000  }
0x47: {  	s28 =	simm.s32 @!p0 $0x80;
	[sflag:s26] =	ssyncset.done @!p0 $0x0  }
0x48: {  	s29 =	simm.s32 @!p0 $0x6400;
	[sflag:s26] =	ssyncadd.s32 @!p0 $0xFFFF8000;
	s26 =	sadd.s32 @!p0 $0xFFFFFF80, s23  }
0x49: {  	[tilespmem:s29], [sflag:$0x1] =	stream.indirect.gather @!p0 [hbm4b:s3+s28], $0x80, s26, s28, $0xb8;
	[tilespmem:$0x1E400] =	vst v63  }
0x4a: {  	s26 =	simm.s32 @!p0 $0xA400  }
0x4b: {  	[tilespmem:s26], [sflag:$0x1] =	stream.indirect.gather @!p0 [hbm4b:s3+s28], $0x80, s23, s28, $0xb8;
	[tilespmem:$0x1E400] =	vst v63  }
0x4c: {  	_ =	swait.ge [sflag:s20], $0x4000  }
0x4d: {  	[sflag:s20] =	ssyncset.done $0x0  }
.Ltmp6:
0x4e: {  	[sflag:s20] =	ssyncadd.s32 $0xFFFFC000;
	(pc) =	sbr.rel .LBB2_7-.Ltmp6, $4  }
0x4f: {  	_ =	swait.ge [sflag:s20], $0x4000  }
0x50: {  	[sflag:s20] =	ssyncset.done $0x0  }
0x51: {  	[sflag:s20] =	ssyncadd.s32 $0xFFFFC000  }
0x52: {  	[hbm4b:s24+s2] =	stream.linear.scatter [tilespmem:s12], [sflag:$0x5], $0x8000, $0x38;
	[tilespmem:$0x1E400] =	vst v63  }
.LBB2_4:
0x53: {  	p0 =	sgt.u32 s25, $0x61  }
0x54: {  	p1 =	seq.s32 @!p0 s25, $0x0  }
0x55: {  	p1 =	por p1, p0  }
0x56: {  	s26 =	simm.s32 @!p1 $0x6  }
0x57: {  	_ =	swait.ge @!p1 [sflag:s26], $0x8000  }
0x58: {  	s28 =	simm.s32 @!p0 $0x80;
	[sflag:s26] =	ssyncset.done @!p1 $0x0  }
0x59: {  	s29 =	simm.s32 @!p0 $0x16400;
	[sflag:s26] =	ssyncadd.s32 @!p1 $0xFFFF8000;
	s26 =	sadd.s32 @!p0 $0xFFFFFF80, s23  }
0x5a: {  	[tilespmem:s29], [sflag:$0x3] =	stream.indirect.gather @!p0 [hbm4b:s3+s28], $0x80, s26, s28, $0xb8;
	[tilespmem:$0x1E400] =	vst v63  }
0x5b: {  	s26 =	simm.s32 @!p0 $0x1A400  }
0x5c: {  	[tilespmem:s26], [sflag:$0x3] =	stream.indirect.gather @!p0 [hbm4b:s3+s28], $0x80, s23, s28, $0xb8;
	[tilespmem:$0x1E400] =	vst v63  }
0x5d: {  	_ =	swait.ge [sflag:s21], $0x4000  }
0x5e: {  	[sflag:s21] =	ssyncset.done $0x0  }
.Ltmp7:
0x5f: {  	[sflag:s21] =	ssyncadd.s32 $0xFFFFC000;
	(pc) =	sbr.rel .LBB2_7-.Ltmp7, $4  }
0x60: {  	_ =	swait.ge [sflag:s21], $0x4000  }
0x61: {  	[sflag:s21] =	ssyncset.done $0x0  }
0x62: {  	[sflag:s21] =	ssyncadd.s32 $0xFFFFC000  }
0x63: {  	[hbm4b:s24+s2] =	stream.linear.scatter [tilespmem:s9], [sflag:$0x4], $0x8000, $0x38;
	[tilespmem:$0x1E400] =	vst v63  }
.LBB2_9:
0x64: {  	_ =	sfence.sel $0x180000  }
0x65: {  	[bflag:$0x0] =	sbarrier.arrive $0xFFFF  }
0x66: {  	p0 =	sne.s32 s0, $0x0;
	_ =	strace $0x90000047  }
0x67: {  	s0 =	sadd.s32 @!p0 $0x100000, s1;
	[bflag:$0x2] =	sbarrier.arrive $0xFFFF  }
0x68: {  	[sflag:s0] =	ssyncadd.tile.s32 @!p0 $0x1;
	_ =	shalt  }
.Lfunc_end2:
_tile_overlayer_lowered:
.L_overlay_start_2:
0x69: {  	(tag) =	ssettag $0x2  }
0x6a: {  	s0 =	rddreg [dreg:$0x0];
	s2 =	stileid.u32  }
0x6b: {  	s1 =	rddreg [dreg:$0x1];
	p0 =	sne.s32 s2, $0x0  }
0x6c: {  	s3 =	rddreg [dreg:$0x2];
	[bflag:$0x3] =	sbarrier.arrive $0xFFFF;
	s2 =	simm.s32 @!p0 $0x1C07  }
0x6d: {  	[timem:s3], [sflag:s2] =	dma.local @!p0 [hbm:s0], s1  }
0x6e: {  	s0 =	simm.s32 @!p0 $0x7  }
0x6f: {  	_ =	swait.ge @!p0 [sflag:s0], s1  }
0x70: {  	s1 =	ssub.s32 @!p0 $0x0, s1;
	[sflag:s0] =	ssyncset.done @!p0 $0x0  }
0x71: {  	[sflag:s0] =	ssyncadd.s32 @!p0 s1  }
0x72: {  	[bflag:$0x3] =	sbarrier.arrive $0xFFFF  }
0x73: {  	_ =	shalt  }

</sc_bundles>
